<compile_context>
chip_gen: v7x
topology: tpu7x:2x2x1
jax: 0.10.2.dev20260603
libtpu: 0.0.44.dev20260713+nightly
codegen_flags: <defaults>
</compile_context>

<pallas_src>
import functools

import jax
import jax.numpy as jnp
from jax import lax
from jax.experimental import pallas as pl
from jax.experimental.pallas import tpu as pltpu
from jax.experimental.pallas import tpu_sc as plsc

NC = 2
NS = 16
NW = NC * NS

B = 10000
BP = 10240
NPW = 320
STRIDE = 312
DEG = 32
FD = 128
ED = 64

GN = 64
NG = NPW // GN
NK = NG * DEG
NRING = 4
SCH = 64
NSCH = NPW // SCH

_mesh = plsc.VectorSubcoreMesh(core_axis_name="c", subcore_axis_name="s")


@functools.partial(
    pl.kernel,
    mesh=_mesh,
    out_type=[
        jax.ShapeDtypeStruct((BP, FD), jnp.float32),
        jax.ShapeDtypeStruct((BP, FD), jnp.float32),
    ],
    scratch_types=[
        pltpu.VMEM((NK, GN), jnp.int32),
        pltpu.VMEM((NPW,), jnp.int32),
        pltpu.VMEM((NPW, FD), jnp.float32),
        pltpu.VMEM((2, SCH, FD), jnp.float32),
        pltpu.SemaphoreType.DMA((NRING,)),
        pltpu.SemaphoreType.DMA((2,)),
        pltpu.SemaphoreType.DMA((2,)),
    ],
)
def _sc_agg(idxt_hbm, nodes_hbm, zeros_hbm, feat_hbm,
            sum_hbm, self_hbm,
            idxt_v, sidx_v, acc_v, srows_v, gsem, ssem, psem):
    sid = lax.axis_index("s")
    wid = sid * NC + lax.axis_index("c")
    base = pl.multiple_of(
        lax.select(wid == NW - 1, jnp.int32(B - NPW), wid * STRIDE), 8)
    toff = pl.multiple_of(wid * NK, NK)

    c1 = pltpu.async_copy(idxt_hbm.at[pl.ds(toff, NK)], idxt_v, psem.at[0])
    c2 = pltpu.async_copy(nodes_hbm.at[pl.ds(base, NPW)], sidx_v, psem.at[1])
    c3 = pltpu.async_copy(zeros_hbm, acc_v, gsem.at[NRING - 1])
    c1.wait()
    c3.wait()

    def gadd(t, b):
        g = lax.rem(t, NG)
        row = g * DEG + lax.div(t, NG)
        goff = pl.multiple_of(g * GN, GN)
        return pltpu.async_copy(
            feat_hbm.at[idxt_v.at[row]], acc_v.at[pl.ds(goff, GN)],
            gsem.at[b], add=True)

    for k in range(NRING - 1):
        gadd(jnp.int32(k), k)

    def gwait(t, b):
        g = lax.rem(t, NG)
        row = g * DEG + lax.div(t, NG)
        goff = pl.multiple_of(g * GN, GN)
        pltpu.make_async_copy(
            feat_hbm.at[idxt_v.at[row]], acc_v.at[pl.ds(goff, GN)],
            gsem.at[b]).wait()

    def step(t, carry):
        gadd(t + NRING - 1, lax.rem(t + NRING - 1, NRING))
        gwait(t, lax.rem(t, NRING))
        return carry

    lax.fori_loop(0, NK - (NRING - 1), step, 0)
    for t in range(NK - (NRING - 1), NK):
        gwait(jnp.int32(t), t % NRING)

    pltpu.sync_copy(acc_v, sum_hbm.at[pl.ds(base, NPW)])

    c2.wait()
    pltpu.async_copy(feat_hbm.at[sidx_v.at[pl.ds(0, SCH)]], srows_v.at[0],
                     ssem.at[0])
    for s in range(NSCH):
        b = s % 2
        pltpu.make_async_copy(
            feat_hbm.at[sidx_v.at[pl.ds(s * SCH, SCH)]], srows_v.at[b],
            ssem.at[b]).wait()
        if s + 1 < NSCH:
            pltpu.async_copy(
                feat_hbm.at[sidx_v.at[pl.ds((s + 1) * SCH, SCH)]],
                srows_v.at[1 - b], ssem.at[1 - b])
        pltpu.sync_copy(srows_v.at[b],
                        self_hbm.at[pl.ds(base + s * SCH, SCH)])


def _tidx_body(nidx_ref, out_ref):
    w = pl.program_id(0)
    base = lax.select(w == NW - 1, jnp.int32(B - NPW), w * STRIDE)
    for g in range(NG):
        sub = nidx_ref[pl.ds(base + g * GN, GN), :]
        out_ref[pl.ds(g * DEG, DEG), :] = sub.T


_tc_tidx = pl.pallas_call(
    _tidx_body,
    grid=(NW,),
    in_specs=[pl.BlockSpec((B, DEG), lambda w: (0, 0))],
    out_specs=pl.BlockSpec((NK, GN), lambda w: (w, 0)),
    out_shape=jax.ShapeDtypeStruct((NW * NK, GN), jnp.int32),
)


BLK = 1024


def _tc_body(sum_ref, self_ref, wi_ref, w1_ref, w2_ref, out_ref):
    agg = sum_ref[...] * (1.0 / DEG)
    r1 = jnp.maximum(
        jnp.dot(agg, wi_ref[...], preferred_element_type=jnp.float32), 0.0)
    comb = jnp.maximum(
        jnp.dot(self_ref[...], w1_ref[...], preferred_element_type=jnp.float32)
        + jnp.dot(r1, w2_ref[...], preferred_element_type=jnp.float32), 0.0)
    out_ref[...] = comb.T


_tc_combine = pl.pallas_call(
    _tc_body,
    grid=(BP // BLK,),
    in_specs=[
        pl.BlockSpec((BLK, FD), lambda i: (i, 0)),
        pl.BlockSpec((BLK, FD), lambda i: (i, 0)),
        pl.BlockSpec((FD, ED), lambda i: (0, 0)),
        pl.BlockSpec((FD, ED), lambda i: (0, 0)),
        pl.BlockSpec((ED, ED), lambda i: (0, 0)),
    ],
    out_specs=pl.BlockSpec((ED, BLK), lambda i: (0, i)),
    out_shape=jax.ShapeDtypeStruct((ED, BP), jnp.float32),
)


def kernel(nodes, labels, neigh_idx, features, W_intra, weight):
    zeros = jnp.zeros((NPW, FD), jnp.float32)
    idxt = _tc_tidx(neigh_idx)
    nsum, selff = _sc_agg(idxt, nodes, zeros, features)
    out = _tc_combine(nsum, selff, W_intra, weight[:FD], weight[FD:])
    return out[:, :B]

# --- scband reference (transcript-rebuilt; emitter-appended) ---
"""Pipeline reference for scband-inter-agg-17703855194586 (READ-ONLY COPY).

The authoritative reference and input builder live on the scoring server;
editing this copy changes nothing except your own understanding.
"""

import jax, jax.numpy as jnp
import numpy as np

N_NODES = 100000
BATCH = 10000
DEG = 32
FEAT_DIM = 128
EMBED_DIM = 64


def setup_inputs(seed: int = 0) -> dict:
    key = jax.random.key(seed)
    ks = jax.random.split(key, 6)
    nodes = jax.random.randint(ks[0], (BATCH,), 0, N_NODES, dtype=jnp.int32)
    labels = jax.random.randint(ks[1], (BATCH,), 0, 2, dtype=jnp.int32)
    neigh_idx = jax.random.randint(ks[2], (BATCH, DEG), 0, N_NODES, dtype=jnp.int32)
    # learned parameters
    features = jax.random.normal(ks[3], (N_NODES, FEAT_DIM), dtype=jnp.float32)
    lim_i = float(np.sqrt(6.0 / (FEAT_DIM + EMBED_DIM)))
    W_intra = jax.random.uniform(ks[4], (FEAT_DIM, EMBED_DIM), minval=-lim_i, maxval=lim_i, dtype=jnp.float32)
    lim_w = float(np.sqrt(6.0 / (FEAT_DIM + EMBED_DIM + EMBED_DIM)))
    weight = jax.random.uniform(ks[5], (FEAT_DIM + EMBED_DIM, EMBED_DIM), minval=-lim_w, maxval=lim_w, dtype=jnp.float32)
    return {"nodes": nodes, "labels": labels, "neigh_idx": neigh_idx,
            "features": features, "W_intra": W_intra, "weight": weight}


def reference(nodes, labels, neigh_idx, features, W_intra, weight):
    # intra_agg1.forward(nodes, r1_list): mean over single-relation neighbors,
    # then Linear + ReLU (GraphSAGE-mean intra-relation aggregator)
    neigh_feats = jnp.take(features, neigh_idx, axis=0)        # [B, DEG, FEAT_DIM] gather
    agg = jnp.mean(neigh_feats, axis=1)                        # [B, FEAT_DIM]
    r1_feats = jax.nn.relu(agg @ W_intra)                      # [B, EMBED_DIM]
    # self_feats = self.fetch_feat(nodes)
    self_feats = jnp.take(features, nodes, axis=0)             # [B, FEAT_DIM] gather
    # update_label_vector only mutates detached state (pos_vector/neg_vector);
    # it has no effect on the returned output, so it is omitted here.
    cat_feats = jnp.concatenate([self_feats, r1_feats], axis=1)  # [B, FEAT_DIM+EMBED_DIM]
    combined = jax.nn.relu(cat_feats @ weight).T               # [EMBED_DIM, B]
    return combined

if __name__ == "__main__":
    import jax
    _d = setup_inputs()
    print(jax.jit(kernel)(*tuple(_d.values())))

</pallas_src>

<mosaic_0001>
#map = affine_map<(d0, d1) -> (0, 0)>
#map1 = affine_map<(d0, d1) -> (0)>
module attributes {stable_mosaic.version = 14 : i64} {
  func.func @_sc_agg(%arg0: i32, %arg1: i32, %arg2: memref<5120x64xi32, #tpu.memory_space<hbm>>, %arg3: memref<10000xi32, #tpu.memory_space<hbm>>, %arg4: memref<320x128xf32, #tpu.memory_space<hbm>>, %arg5: memref<100000x128xf32, #tpu.memory_space<hbm>>, %arg6: memref<10240x128xf32, #tpu.memory_space<hbm>>, %arg7: memref<10240x128xf32, #tpu.memory_space<hbm>>, %arg8: memref<160x64xi32, #tpu.memory_space<vmem>>, %arg9: memref<320xi32, #tpu.memory_space<vmem>>, %arg10: memref<320x128xf32, #tpu.memory_space<vmem>>, %arg11: memref<2x64x128xf32, #tpu.memory_space<vmem>>, %arg12: memref<4x!tpu.dma_semaphore, #tpu.memory_space<semaphore_mem>>, %arg13: memref<2x!tpu.dma_semaphore, #tpu.memory_space<semaphore_mem>>, %arg14: memref<2x!tpu.dma_semaphore, #tpu.memory_space<semaphore_mem>>) attributes {dimension_semantics = [#tpu.dimension_semantics<core_parallel>, #tpu.dimension_semantics<subcore_parallel>], iteration_bounds = array<i64: 2, 16>, scalar_prefetch = 0 : i64, scratch_operands = 7 : i64, tpu.core_type = #tpu.core_type<sc_vector_subcore>, window_params = [{transform_indices = #map}, {transform_indices = #map1}, {transform_indices = #map}, {transform_indices = #map}, {transform_indices = #map}, {transform_indices = #map}]} {
    %mul3A = arith.constant 2 : i32
    %mul3A_0 = arith.muli %arg1, %mul3A : i32
    %add3A = arith.addi %mul3A_0, %arg0 : i32
    %eq3A = arith.constant 31 : i32
    %eq3A_1 = arith.cmpi eq, %add3A, %eq3A : i32
    %mul3A_2 = arith.constant 312 : i32
    %mul3A_3 = arith.muli %add3A, %mul3A_2 : i32
    %select_n3A = arith.constant 9680 : i32
    %select_n3A_4 = arith.select %eq3A_1, %select_n3A, %mul3A_3 : i32
    %multiple_of3A = tpu.assume_multiple %select_n3A_4, 8 : i32
    %mul3A_5 = arith.constant 160 : i32
    %mul3A_6 = arith.muli %add3A, %mul3A_5 : i32
    %multiple_of3A_7 = tpu.assume_multiple %mul3A_6, 160 : i32
    %dma_start3A = arith.constant 0 : i32
    %dma_start3A_8 = arith.constant 0 : i32
    %dma_start3A_9 = tpu.memref_slice %arg2[%multiple_of3A_7, %dma_start3A_8] : memref<5120x64xi32, #tpu.memory_space<hbm>> -> memref<160x64xi32, #tpu.memory_space<hbm>>
    %dma_start3A_10 = tpu.memref_slice %arg14[%dma_start3A] : memref<2x!tpu.dma_semaphore, #tpu.memory_space<semaphore_mem>> -> memref<1x!tpu.dma_semaphore, #tpu.memory_space<semaphore_mem>>
    %dma_start3A_11 = tpu.memref_squeeze %dma_start3A_10 : memref<1x!tpu.dma_semaphore, #tpu.memory_space<semaphore_mem>> -> memref<!tpu.dma_semaphore, #tpu.memory_space<semaphore_mem>>
    %dma_start3A_12 = arith.constant 0 : i32
    %dma_start3A_13 = tpu.memref_slice %arg2[%multiple_of3A_7, %dma_start3A_12] : memref<5120x64xi32, #tpu.memory_space<hbm>> -> memref<160x64xi32, #tpu.memory_space<hbm>>
    tpu.enqueue_dma source(%dma_start3A_13 : memref<160x64xi32, #tpu.memory_space<hbm>>) target(%arg8 : memref<160x64xi32, #tpu.memory_space<vmem>>) target_semaphore(%dma_start3A_11 : memref<!tpu.dma_semaphore, #tpu.memory_space<semaphore_mem>>)
    %dma_start3A_14 = arith.constant 1 : i32
    %dma_start3A_15 = tpu.memref_slice %arg3[%multiple_of3A] : memref<10000xi32, #tpu.memory_space<hbm>> -> memref<320xi32, #tpu.memory_space<hbm>>
    %dma_start3A_16 = tpu.memref_slice %arg14[%dma_start3A_14] : memref<2x!tpu.dma_semaphore, #tpu.memory_space<semaphore_mem>> -> memref<1x!tpu.dma_semaphore, #tpu.memory_space<semaphore_mem>>
    %dma_start3A_17 = tpu.memref_squeeze %dma_start3A_16 : memref<1x!tpu.dma_semaphore, #tpu.memory_space<semaphore_mem>> -> memref<!tpu.dma_semaphore, #tpu.memory_space<semaphore_mem>>
    %dma_start3A_18 = tpu.memref_slice %arg3[%multiple_of3A] : memref<10000xi32, #tpu.memory_space<hbm>> -> memref<320xi32, #tpu.memory_space<hbm>>
    tpu.enqueue_dma source(%dma_start3A_18 : memref<320xi32, #tpu.memory_space<hbm>>) target(%arg9 : memref<320xi32, #tpu.memory_space<vmem>>) target_semaphore(%dma_start3A_17 : memref<!tpu.dma_semaphore, #tpu.memory_space<semaphore_mem>>)
    %dma_start3A_19 = arith.constant 3 : i32
    %dma_start3A_20 = tpu.memref_slice %arg12[%dma_start3A_19] : memref<4x!tpu.dma_semaphore, #tpu.memory_space<semaphore_mem>> -> memref<1x!tpu.dma_semaphore, #tpu.memory_space<semaphore_mem>>
    %dma_start3A_21 = tpu.memref_squeeze %dma_start3A_20 : memref<1x!tpu.dma_semaphore, #tpu.memory_space<semaphore_mem>> -> memref<!tpu.dma_semaphore, #tpu.memory_space<semaphore_mem>>
    tpu.enqueue_dma source(%arg4 : memref<320x128xf32, #tpu.memory_space<hbm>>) target(%arg10 : memref<320x128xf32, #tpu.memory_space<vmem>>) target_semaphore(%dma_start3A_21 : memref<!tpu.dma_semaphore, #tpu.memory_space<semaphore_mem>>)
    %dma_wait3A = arith.constant 0 : i32
    %dma_wait3A_22 = arith.constant 0 : i32
    %dma_wait3A_23 = tpu.memref_slice %arg2[%multiple_of3A_7, %dma_wait3A_22] : memref<5120x64xi32, #tpu.memory_space<hbm>> -> memref<160x64xi32, #tpu.memory_space<hbm>>
    %dma_wait3A_24 = tpu.memref_slice %arg14[%dma_wait3A] : memref<2x!tpu.dma_semaphore, #tpu.memory_space<semaphore_mem>> -> memref<1x!tpu.dma_semaphore, #tpu.memory_space<semaphore_mem>>
    %dma_wait3A_25 = tpu.memref_squeeze %dma_wait3A_24 : memref<1x!tpu.dma_semaphore, #tpu.memory_space<semaphore_mem>> -> memref<!tpu.dma_semaphore, #tpu.memory_space<semaphore_mem>>
    %dma_wait3A_26 = arith.constant 0 : i32
    %dma_wait3A_27 = tpu.memref_slice %arg2[%multiple_of3A_7, %dma_wait3A_26] : memref<5120x64xi32, #tpu.memory_space<hbm>> -> memref<160x64xi32, #tpu.memory_space<hbm>>
    tpu.wait_dma2 semaphore(%dma_wait3A_25 : memref<!tpu.dma_semaphore, #tpu.memory_space<semaphore_mem>>) src(%dma_wait3A_27 : memref<160x64xi32, #tpu.memory_space<hbm>>) dst(%arg8 : memref<160x64xi32, #tpu.memory_space<vmem>>)
    %dma_wait3A_28 = arith.constant 3 : i32
    %dma_wait3A_29 = tpu.memref_slice %arg12[%dma_wait3A_28] : memref<4x!tpu.dma_semaphore, #tpu.memory_space<semaphore_mem>> -> memref<1x!tpu.dma_semaphore, #tpu.memory_space<semaphore_mem>>
    %dma_wait3A_30 = tpu.memref_squeeze %dma_wait3A_29 : memref<1x!tpu.dma_semaphore, #tpu.memory_space<semaphore_mem>> -> memref<!tpu.dma_semaphore, #tpu.memory_space<semaphore_mem>>
    tpu.wait_dma2 semaphore(%dma_wait3A_30 : memref<!tpu.dma_semaphore, #tpu.memory_space<semaphore_mem>>) src(%arg4 : memref<320x128xf32, #tpu.memory_space<hbm>>) dst(%arg10 : memref<320x128xf32, #tpu.memory_space<vmem>>)
    %rem3A = arith.constant 0 : i32
    %rem3A_31 = arith.constant 5 : i32
    %rem3A_32 = arith.remsi %rem3A, %rem3A_31 : i32
    %mul3A_33 = arith.constant 32 : i32
    %mul3A_34 = arith.muli %rem3A_32, %mul3A_33 : i32
    %div3A = arith.constant 0 : i32
    %div3A_35 = arith.constant 5 : i32
    %div3A_36 = arith.divsi %div3A, %div3A_35 : i32
    %add3A_37 = arith.addi %mul3A_34, %div3A_36 : i32
    %mul3A_38 = arith.constant 64 : i32
    %mul3A_39 = arith.muli %rem3A_32, %mul3A_38 : i32
    %multiple_of3A_40 = tpu.assume_multiple %mul3A_39, 64 : i32
    %dma_start3A_41 = arith.constant 0 : i32
    %dma_start3A_42 = arith.constant 0 : i32
    %dma_start3A_43 = tpu.memref_slice %arg10[%multiple_of3A_40, %dma_start3A_42] : memref<320x128xf32, #tpu.memory_space<vmem>> -> memref<64x128xf32, #tpu.memory_space<vmem>>
    %dma_start3A_44 = arith.constant 0 : i32
    %dma_start3A_45 = tpu.memref_slice %arg8[%add3A_37, %dma_start3A_44] : memref<160x64xi32, #tpu.memory_space<vmem>> -> memref<1x64xi32, #tpu.memory_space<vmem>>
    %dma_start3A_46 = tpu.memref_squeeze %dma_start3A_45 : memref<1x64xi32, #tpu.memory_space<vmem>> -> memref<64xi32, #tpu.memory_space<vmem>>
    %dma_start3A_47 = arith.constant 0 : i32
    %dma_start3A_48 = arith.constant 0 : i32
    %dma_start3A_49 = tpu.memref_slice %arg5[%dma_start3A_47, %dma_start3A_48] : memref<100000x128xf32, #tpu.memory_space<hbm>> -> memref<100000x128xf32, #tpu.memory_space<hbm>>
    %dma_start3A_50 = tpu.memref_slice %arg12[%dma_start3A_41] : memref<4x!tpu.dma_semaphore, #tpu.memory_space<semaphore_mem>> -> memref<1x!tpu.dma_semaphore, #tpu.memory_space<semaphore_mem>>
    %dma_start3A_51 = tpu.memref_squeeze %dma_start3A_50 : memref<1x!tpu.dma_semaphore, #tpu.memory_space<semaphore_mem>> -> memref<!tpu.dma_semaphore, #tpu.memory_space<semaphore_mem>>
    tpu.enqueue_indirect_dma source(%dma_start3A_49 : memref<100000x128xf32, #tpu.memory_space<hbm>>) target(%dma_start3A_43 : memref<64x128xf32, #tpu.memory_space<vmem>>) offsets(%dma_start3A_46 : memref<64xi32, #tpu.memory_space<vmem>>) semaphore(%dma_start3A_51 : memref<!tpu.dma_semaphore, #tpu.memory_space<semaphore_mem>>) {add = true}
    %rem3A_52 = arith.constant 1 : i32
    %rem3A_53 = arith.constant 5 : i32
    %rem3A_54 = arith.remsi %rem3A_52, %rem3A_53 : i32
    %mul3A_55 = arith.constant 32 : i32
    %mul3A_56 = arith.muli %rem3A_54, %mul3A_55 : i32
    %div3A_57 = arith.constant 1 : i32
    %div3A_58 = arith.constant 5 : i32
    %div3A_59 = arith.divsi %div3A_57, %div3A_58 : i32
    %add3A_60 = arith.addi %mul3A_56, %div3A_59 : i32
    %mul3A_61 = arith.constant 64 : i32
    %mul3A_62 = arith.muli %rem3A_54, %mul3A_61 : i32
    %multiple_of3A_63 = tpu.assume_multiple %mul3A_62, 64 : i32
    %dma_start3A_64 = arith.constant 1 : i32
    %dma_start3A_65 = arith.constant 0 : i32
    %dma_start3A_66 = tpu.memref_slice %arg10[%multiple_of3A_63, %dma_start3A_65] : memref<320x128xf32, #tpu.memory_space<vmem>> -> memref<64x128xf32, #tpu.memory_space<vmem>>
    %dma_start3A_67 = arith.constant 0 : i32
    %dma_start3A_68 = tpu.memref_slice %arg8[%add3A_60, %dma_start3A_67] : memref<160x64xi32, #tpu.memory_space<vmem>> -> memref<1x64xi32, #tpu.memory_space<vmem>>
    %dma_start3A_69 = tpu.memref_squeeze %dma_start3A_68 : memref<1x64xi32, #tpu.memory_space<vmem>> -> memref<64xi32, #tpu.memory_space<vmem>>
    %dma_start3A_70 = arith.constant 0 : i32
    %dma_start3A_71 = arith.constant 0 : i32
    %dma_start3A_72 = tpu.memref_slice %arg5[%dma_start3A_70, %dma_start3A_71] : memref<100000x128xf32, #tpu.memory_space<hbm>> -> memref<100000x128xf32, #tpu.memory_space<hbm>>
    %dma_start3A_73 = tpu.memref_slice %arg12[%dma_start3A_64] : memref<4x!tpu.dma_semaphore, #tpu.memory_space<semaphore_mem>> -> memref<1x!tpu.dma_semaphore, #tpu.memory_space<semaphore_mem>>
    %dma_start3A_74 = tpu.memref_squeeze %dma_start3A_73 : memref<1x!tpu.dma_semaphore, #tpu.memory_space<semaphore_mem>> -> memref<!tpu.dma_semaphore, #tpu.memory_space<semaphore_mem>>
    tpu.enqueue_indirect_dma source(%dma_start3A_72 : memref<100000x128xf32, #tpu.memory_space<hbm>>) target(%dma_start3A_66 : memref<64x128xf32, #tpu.memory_space<vmem>>) offsets(%dma_start3A_69 : memref<64xi32, #tpu.memory_space<vmem>>) semaphore(%dma_start3A_74 : memref<!tpu.dma_semaphore, #tpu.memory_space<semaphore_mem>>) {add = true}
    %rem3A_75 = arith.constant 2 : i32
    %rem3A_76 = arith.constant 5 : i32
    %rem3A_77 = arith.remsi %rem3A_75, %rem3A_76 : i32
    %mul3A_78 = arith.constant 32 : i32
    %mul3A_79 = arith.muli %rem3A_77, %mul3A_78 : i32
    %div3A_80 = arith.constant 2 : i32
    %div3A_81 = arith.constant 5 : i32
    %div3A_82 = arith.divsi %div3A_80, %div3A_81 : i32
    %add3A_83 = arith.addi %mul3A_79, %div3A_82 : i32
    %mul3A_84 = arith.constant 64 : i32
    %mul3A_85 = arith.muli %rem3A_77, %mul3A_84 : i32
    %multiple_of3A_86 = tpu.assume_multiple %mul3A_85, 64 : i32
    %dma_start3A_87 = arith.constant 2 : i32
    %dma_start3A_88 = arith.constant 0 : i32
    %dma_start3A_89 = tpu.memref_slice %arg10[%multiple_of3A_86, %dma_start3A_88] : memref<320x128xf32, #tpu.memory_space<vmem>> -> memref<64x128xf32, #tpu.memory_space<vmem>>
    %dma_start3A_90 = arith.constant 0 : i32
    %dma_start3A_91 = tpu.memref_slice %arg8[%add3A_83, %dma_start3A_90] : memref<160x64xi32, #tpu.memory_space<vmem>> -> memref<1x64xi32, #tpu.memory_space<vmem>>
    %dma_start3A_92 = tpu.memref_squeeze %dma_start3A_91 : memref<1x64xi32, #tpu.memory_space<vmem>> -> memref<64xi32, #tpu.memory_space<vmem>>
    %dma_start3A_93 = arith.constant 0 : i32
    %dma_start3A_94 = arith.constant 0 : i32
    %dma_start3A_95 = tpu.memref_slice %arg5[%dma_start3A_93, %dma_start3A_94] : memref<100000x128xf32, #tpu.memory_space<hbm>> -> memref<100000x128xf32, #tpu.memory_space<hbm>>
    %dma_start3A_96 = tpu.memref_slice %arg12[%dma_start3A_87] : memref<4x!tpu.dma_semaphore, #tpu.memory_space<semaphore_mem>> -> memref<1x!tpu.dma_semaphore, #tpu.memory_space<semaphore_mem>>
    %dma_start3A_97 = tpu.memref_squeeze %dma_start3A_96 : memref<1x!tpu.dma_semaphore, #tpu.memory_space<semaphore_mem>> -> memref<!tpu.dma_semaphore, #tpu.memory_space<semaphore_mem>>
    tpu.enqueue_indirect_dma source(%dma_start3A_95 : memref<100000x128xf32, #tpu.memory_space<hbm>>) target(%dma_start3A_89 : memref<64x128xf32, #tpu.memory_space<vmem>>) offsets(%dma_start3A_92 : memref<64xi32, #tpu.memory_space<vmem>>) semaphore(%dma_start3A_97 : memref<!tpu.dma_semaphore, #tpu.memory_space<semaphore_mem>>) {add = true}
    %scan3A = arith.constant 0 : i32
    %scan3A_98 = arith.constant 0 : i32
    %scan3A_99 = arith.constant 157 : i32
    %scan3A_100 = arith.addi %scan3A_98, %scan3A_99 : i32
    %scan3A_101 = arith.constant 1 : i32
    scf.for %scan3A_321 = %scan3A_98 to %scan3A_100 step %scan3A_101  : i32 {
      %add3A_322 = arith.constant 4 : i32
      %add3A_323 = arith.addi %scan3A_321, %add3A_322 : i32
      %sub3A = arith.constant 1 : i32
      %sub3A_324 = arith.subi %add3A_323, %sub3A : i32
      %add3A_325 = arith.constant 4 : i32
      %add3A_326 = arith.addi %scan3A_321, %add3A_325 : i32
      %sub3A_327 = arith.constant 1 : i32
      %sub3A_328 = arith.subi %add3A_326, %sub3A_327 : i32
      %rem3A_329 = arith.constant 4 : i32
      %rem3A_330 = arith.remsi %sub3A_328, %rem3A_329 : i32
      %rem3A_331 = arith.constant 5 : i32
      %rem3A_332 = arith.remsi %sub3A_324, %rem3A_331 : i32
      %mul3A_333 = arith.constant 32 : i32
      %mul3A_334 = arith.muli %rem3A_332, %mul3A_333 : i32
      %div3A_335 = arith.constant 5 : i32
      %div3A_336 = arith.divsi %sub3A_324, %div3A_335 : i32
      %add3A_337 = arith.addi %mul3A_334, %div3A_336 : i32
      %mul3A_338 = arith.constant 64 : i32
      %mul3A_339 = arith.muli %rem3A_332, %mul3A_338 : i32
      %multiple_of3A_340 = tpu.assume_multiple %mul3A_339, 64 : i32
      %dma_start3A_341 = arith.constant 0 : i32
      %dma_start3A_342 = tpu.memref_slice %arg10[%multiple_of3A_340, %dma_start3A_341] : memref<320x128xf32, #tpu.memory_space<vmem>> -> memref<64x128xf32, #tpu.memory_space<vmem>>
      %dma_start3A_343 = arith.constant 0 : i32
      %dma_start3A_344 = tpu.memref_slice %arg8[%add3A_337, %dma_start3A_343] : memref<160x64xi32, #tpu.memory_space<vmem>> -> memref<1x64xi32, #tpu.memory_space<vmem>>
      %dma_start3A_345 = tpu.memref_squeeze %dma_start3A_344 : memref<1x64xi32, #tpu.memory_space<vmem>> -> memref<64xi32, #tpu.memory_space<vmem>>
      %dma_start3A_346 = arith.constant 0 : i32
      %dma_start3A_347 = arith.constant 0 : i32
      %dma_start3A_348 = tpu.memref_slice %arg5[%dma_start3A_346, %dma_start3A_347] : memref<100000x128xf32, #tpu.memory_space<hbm>> -> memref<100000x128xf32, #tpu.memory_space<hbm>>
      %dma_start3A_349 = tpu.memref_slice %arg12[%rem3A_330] : memref<4x!tpu.dma_semaphore, #tpu.memory_space<semaphore_mem>> -> memref<1x!tpu.dma_semaphore, #tpu.memory_space<semaphore_mem>>
      %dma_start3A_350 = tpu.memref_squeeze %dma_start3A_349 : memref<1x!tpu.dma_semaphore, #tpu.memory_space<semaphore_mem>> -> memref<!tpu.dma_semaphore, #tpu.memory_space<semaphore_mem>>
      tpu.enqueue_indirect_dma source(%dma_start3A_348 : memref<100000x128xf32, #tpu.memory_space<hbm>>) target(%dma_start3A_342 : memref<64x128xf32, #tpu.memory_space<vmem>>) offsets(%dma_start3A_345 : memref<64xi32, #tpu.memory_space<vmem>>) semaphore(%dma_start3A_350 : memref<!tpu.dma_semaphore, #tpu.memory_space<semaphore_mem>>) {add = true}
      %rem3A_351 = arith.constant 4 : i32
      %rem3A_352 = arith.remsi %scan3A_321, %rem3A_351 : i32
      %rem3A_353 = arith.constant 5 : i32
      %rem3A_354 = arith.remsi %scan3A_321, %rem3A_353 : i32
      %mul3A_355 = arith.constant 32 : i32
      %mul3A_356 = arith.muli %rem3A_354, %mul3A_355 : i32
      %div3A_357 = arith.constant 5 : i32
      %div3A_358 = arith.divsi %scan3A_321, %div3A_357 : i32
      %add3A_359 = arith.addi %mul3A_356, %div3A_358 : i32
      %mul3A_360 = arith.constant 64 : i32
      %mul3A_361 = arith.muli %rem3A_354, %mul3A_360 : i32
      %multiple_of3A_362 = tpu.assume_multiple %mul3A_361, 64 : i32
      %dma_wait3A_363 = arith.constant 0 : i32
      %dma_wait3A_364 = tpu.memref_slice %arg10[%multiple_of3A_362, %dma_wait3A_363] : memref<320x128xf32, #tpu.memory_space<vmem>> -> memref<64x128xf32, #tpu.memory_space<vmem>>
      %dma_wait3A_365 = arith.constant 0 : i32
      %dma_wait3A_366 = tpu.memref_slice %arg8[%add3A_359, %dma_wait3A_365] : memref<160x64xi32, #tpu.memory_space<vmem>> -> memref<1x64xi32, #tpu.memory_space<vmem>>
      %dma_wait3A_367 = tpu.memref_squeeze %dma_wait3A_366 : memref<1x64xi32, #tpu.memory_space<vmem>> -> memref<64xi32, #tpu.memory_space<vmem>>
      %dma_wait3A_368 = arith.constant 0 : i32
      %dma_wait3A_369 = arith.constant 0 : i32
      %dma_wait3A_370 = tpu.memref_slice %arg5[%dma_wait3A_368, %dma_wait3A_369] : memref<100000x128xf32, #tpu.memory_space<hbm>> -> memref<100000x128xf32, #tpu.memory_space<hbm>>
      %dma_wait3A_371 = tpu.memref_slice %arg12[%rem3A_352] : memref<4x!tpu.dma_semaphore, #tpu.memory_space<semaphore_mem>> -> memref<1x!tpu.dma_semaphore, #tpu.memory_space<semaphore_mem>>
      %dma_wait3A_372 = tpu.memref_squeeze %dma_wait3A_371 : memref<1x!tpu.dma_semaphore, #tpu.memory_space<semaphore_mem>> -> memref<!tpu.dma_semaphore, #tpu.memory_space<semaphore_mem>>
      tpu.wait_indirect_dma semaphore(%dma_wait3A_372 : memref<!tpu.dma_semaphore, #tpu.memory_space<semaphore_mem>>) src(%dma_wait3A_370 : memref<100000x128xf32, #tpu.memory_space<hbm>>) dst(%dma_wait3A_364 : memref<64x128xf32, #tpu.memory_space<vmem>>)
    }
    %scan3A_102 = arith.constant 157 : i32
    %rem3A_103 = arith.constant 157 : i32
    %rem3A_104 = arith.constant 5 : i32
    %rem3A_105 = arith.remsi %rem3A_103, %rem3A_104 : i32
    %mul3A_106 = arith.constant 32 : i32
    %mul3A_107 = arith.muli %rem3A_105, %mul3A_106 : i32
    %div3A_108 = arith.constant 157 : i32
    %div3A_109 = arith.constant 5 : i32
    %div3A_110 = arith.divsi %div3A_108, %div3A_109 : i32
    %add3A_111 = arith.addi %mul3A_107, %div3A_110 : i32
    %mul3A_112 = arith.constant 64 : i32
    %mul3A_113 = arith.muli %rem3A_105, %mul3A_112 : i32
    %multiple_of3A_114 = tpu.assume_multiple %mul3A_113, 64 : i32
    %dma_wait3A_115 = arith.constant 1 : i32
    %dma_wait3A_116 = arith.constant 0 : i32
    %dma_wait3A_117 = tpu.memref_slice %arg10[%multiple_of3A_114, %dma_wait3A_116] : memref<320x128xf32, #tpu.memory_space<vmem>> -> memref<64x128xf32, #tpu.memory_space<vmem>>
    %dma_wait3A_118 = arith.constant 0 : i32
    %dma_wait3A_119 = tpu.memref_slice %arg8[%add3A_111, %dma_wait3A_118] : memref<160x64xi32, #tpu.memory_space<vmem>> -> memref<1x64xi32, #tpu.memory_space<vmem>>
    %dma_wait3A_120 = tpu.memref_squeeze %dma_wait3A_119 : memref<1x64xi32, #tpu.memory_space<vmem>> -> memref<64xi32, #tpu.memory_space<vmem>>
    %dma_wait3A_121 = arith.constant 0 : i32
    %dma_wait3A_122 = arith.constant 0 : i32
    %dma_wait3A_123 = tpu.memref_slice %arg5[%dma_wait3A_121, %dma_wait3A_122] : memref<100000x128xf32, #tpu.memory_space<hbm>> -> memref<100000x128xf32, #tpu.memory_space<hbm>>
    %dma_wait3A_124 = tpu.memref_slice %arg12[%dma_wait3A_115] : memref<4x!tpu.dma_semaphore, #tpu.memory_space<semaphore_mem>> -> memref<1x!tpu.dma_semaphore, #tpu.memory_space<semaphore_mem>>
    %dma_wait3A_125 = tpu.memref_squeeze %dma_wait3A_124 : memref<1x!tpu.dma_semaphore, #tpu.memory_space<semaphore_mem>> -> memref<!tpu.dma_semaphore, #tpu.memory_space<semaphore_mem>>
    tpu.wait_indirect_dma semaphore(%dma_wait3A_125 : memref<!tpu.dma_semaphore, #tpu.memory_space<semaphore_mem>>) src(%dma_wait3A_123 : memref<100000x128xf32, #tpu.memory_space<hbm>>) dst(%dma_wait3A_117 : memref<64x128xf32, #tpu.memory_space<vmem>>)
    %rem3A_126 = arith.constant 158 : i32
    %rem3A_127 = arith.constant 5 : i32
    %rem3A_128 = arith.remsi %rem3A_126, %rem3A_127 : i32
    %mul3A_129 = arith.constant 32 : i32
    %mul3A_130 = arith.muli %rem3A_128, %mul3A_129 : i32
    %div3A_131 = arith.constant 158 : i32
    %div3A_132 = arith.constant 5 : i32
    %div3A_133 = arith.divsi %div3A_131, %div3A_132 : i32
    %add3A_134 = arith.addi %mul3A_130, %div3A_133 : i32
    %mul3A_135 = arith.constant 64 : i32
    %mul3A_136 = arith.muli %rem3A_128, %mul3A_135 : i32
    %multiple_of3A_137 = tpu.assume_multiple %mul3A_136, 64 : i32
    %dma_wait3A_138 = arith.constant 2 : i32
    %dma_wait3A_139 = arith.constant 0 : i32
    %dma_wait3A_140 = tpu.memref_slice %arg10[%multiple_of3A_137, %dma_wait3A_139] : memref<320x128xf32, #tpu.memory_space<vmem>> -> memref<64x128xf32, #tpu.memory_space<vmem>>
    %dma_wait3A_141 = arith.constant 0 : i32
    %dma_wait3A_142 = tpu.memref_slice %arg8[%add3A_134, %dma_wait3A_141] : memref<160x64xi32, #tpu.memory_space<vmem>> -> memref<1x64xi32, #tpu.memory_space<vmem>>
    %dma_wait3A_143 = tpu.memref_squeeze %dma_wait3A_142 : memref<1x64xi32, #tpu.memory_space<vmem>> -> memref<64xi32, #tpu.memory_space<vmem>>
    %dma_wait3A_144 = arith.constant 0 : i32
    %dma_wait3A_145 = arith.constant 0 : i32
    %dma_wait3A_146 = tpu.memref_slice %arg5[%dma_wait3A_144, %dma_wait3A_145] : memref<100000x128xf32, #tpu.memory_space<hbm>> -> memref<100000x128xf32, #tpu.memory_space<hbm>>
    %dma_wait3A_147 = tpu.memref_slice %arg12[%dma_wait3A_138] : memref<4x!tpu.dma_semaphore, #tpu.memory_space<semaphore_mem>> -> memref<1x!tpu.dma_semaphore, #tpu.memory_space<semaphore_mem>>
    %dma_wait3A_148 = tpu.memref_squeeze %dma_wait3A_147 : memref<1x!tpu.dma_semaphore, #tpu.memory_space<semaphore_mem>> -> memref<!tpu.dma_semaphore, #tpu.memory_space<semaphore_mem>>
    tpu.wait_indirect_dma semaphore(%dma_wait3A_148 : memref<!tpu.dma_semaphore, #tpu.memory_space<semaphore_mem>>) src(%dma_wait3A_146 : memref<100000x128xf32, #tpu.memory_space<hbm>>) dst(%dma_wait3A_140 : memref<64x128xf32, #tpu.memory_space<vmem>>)
    %rem3A_149 = arith.constant 159 : i32
    %rem3A_150 = arith.constant 5 : i32
    %rem3A_151 = arith.remsi %rem3A_149, %rem3A_150 : i32
    %mul3A_152 = arith.constant 32 : i32
    %mul3A_153 = arith.muli %rem3A_151, %mul3A_152 : i32
    %div3A_154 = arith.constant 159 : i32
    %div3A_155 = arith.constant 5 : i32
    %div3A_156 = arith.divsi %div3A_154, %div3A_155 : i32
    %add3A_157 = arith.addi %mul3A_153, %div3A_156 : i32
    %mul3A_158 = arith.constant 64 : i32
    %mul3A_159 = arith.muli %rem3A_151, %mul3A_158 : i32
    %multiple_of3A_160 = tpu.assume_multiple %mul3A_159, 64 : i32
    %dma_wait3A_161 = arith.constant 3 : i32
    %dma_wait3A_162 = arith.constant 0 : i32
    %dma_wait3A_163 = tpu.memref_slice %arg10[%multiple_of3A_160, %dma_wait3A_162] : memref<320x128xf32, #tpu.memory_space<vmem>> -> memref<64x128xf32, #tpu.memory_space<vmem>>
    %dma_wait3A_164 = arith.constant 0 : i32
    %dma_wait3A_165 = tpu.memref_slice %arg8[%add3A_157, %dma_wait3A_164] : memref<160x64xi32, #tpu.memory_space<vmem>> -> memref<1x64xi32, #tpu.memory_space<vmem>>
    %dma_wait3A_166 = tpu.memref_squeeze %dma_wait3A_165 : memref<1x64xi32, #tpu.memory_space<vmem>> -> memref<64xi32, #tpu.memory_space<vmem>>
    %dma_wait3A_167 = arith.constant 0 : i32
    %dma_wait3A_168 = arith.constant 0 : i32
    %dma_wait3A_169 = tpu.memref_slice %arg5[%dma_wait3A_167, %dma_wait3A_168] : memref<100000x128xf32, #tpu.memory_space<hbm>> -> memref<100000x128xf32, #tpu.memory_space<hbm>>
    %dma_wait3A_170 = tpu.memref_slice %arg12[%dma_wait3A_161] : memref<4x!tpu.dma_semaphore, #tpu.memory_space<semaphore_mem>> -> memref<1x!tpu.dma_semaphore, #tpu.memory_space<semaphore_mem>>
    %dma_wait3A_171 = tpu.memref_squeeze %dma_wait3A_170 : memref<1x!tpu.dma_semaphore, #tpu.memory_space<semaphore_mem>> -> memref<!tpu.dma_semaphore, #tpu.memory_space<semaphore_mem>>
    tpu.wait_indirect_dma semaphore(%dma_wait3A_171 : memref<!tpu.dma_semaphore, #tpu.memory_space<semaphore_mem>>) src(%dma_wait3A_169 : memref<100000x128xf32, #tpu.memory_space<hbm>>) dst(%dma_wait3A_163 : memref<64x128xf32, #tpu.memory_space<vmem>>)
    "tpu.region"() ({
      %run_scoped3A_321 = tpu.sem_alloc : memref<!tpu.dma_semaphore, #tpu.memory_space<semaphore_mem>>
      %dma_start3A_322 = arith.constant 0 : i32
      %dma_start3A_323 = tpu.memref_slice %arg6[%multiple_of3A, %dma_start3A_322] : memref<10240x128xf32, #tpu.memory_space<hbm>> -> memref<320x128xf32, #tpu.memory_space<hbm>>
      %dma_start3A_324 = arith.constant 0 : i32
      %dma_start3A_325 = tpu.memref_slice %arg6[%multiple_of3A, %dma_start3A_324] : memref<10240x128xf32, #tpu.memory_space<hbm>> -> memref<320x128xf32, #tpu.memory_space<hbm>>
      tpu.enqueue_dma source(%arg10 : memref<320x128xf32, #tpu.memory_space<vmem>>) target(%dma_start3A_325 : memref<320x128xf32, #tpu.memory_space<hbm>>) target_semaphore(%run_scoped3A_321 : memref<!tpu.dma_semaphore, #tpu.memory_space<semaphore_mem>>)
      %dma_wait3A_326 = arith.constant 0 : i32
      %dma_wait3A_327 = tpu.memref_slice %arg6[%multiple_of3A, %dma_wait3A_326] : memref<10240x128xf32, #tpu.memory_space<hbm>> -> memref<320x128xf32, #tpu.memory_space<hbm>>
      %dma_wait3A_328 = arith.constant 0 : i32
      %dma_wait3A_329 = tpu.memref_slice %arg6[%multiple_of3A, %dma_wait3A_328] : memref<10240x128xf32, #tpu.memory_space<hbm>> -> memref<320x128xf32, #tpu.memory_space<hbm>>
      tpu.wait_dma2 semaphore(%run_scoped3A_321 : memref<!tpu.dma_semaphore, #tpu.memory_space<semaphore_mem>>) src(%arg10 : memref<320x128xf32, #tpu.memory_space<vmem>>) dst(%dma_wait3A_329 : memref<320x128xf32, #tpu.memory_space<hbm>>)
      tpu.yield
    }) : () -> ()
    %dma_wait3A_172 = arith.constant 1 : i32
    %dma_wait3A_173 = tpu.memref_slice %arg3[%multiple_of3A] : memref<10000xi32, #tpu.memory_space<hbm>> -> memref<320xi32, #tpu.memory_space<hbm>>
    %dma_wait3A_174 = tpu.memref_slice %arg14[%dma_wait3A_172] : memref<2x!tpu.dma_semaphore, #tpu.memory_space<semaphore_mem>> -> memref<1x!tpu.dma_semaphore, #tpu.memory_space<semaphore_mem>>
    %dma_wait3A_175 = tpu.memref_squeeze %dma_wait3A_174 : memref<1x!tpu.dma_semaphore, #tpu.memory_space<semaphore_mem>> -> memref<!tpu.dma_semaphore, #tpu.memory_space<semaphore_mem>>
    %dma_wait3A_176 = tpu.memref_slice %arg3[%multiple_of3A] : memref<10000xi32, #tpu.memory_space<hbm>> -> memref<320xi32, #tpu.memory_space<hbm>>
    tpu.wait_dma2 semaphore(%dma_wait3A_175 : memref<!tpu.dma_semaphore, #tpu.memory_space<semaphore_mem>>) src(%dma_wait3A_176 : memref<320xi32, #tpu.memory_space<hbm>>) dst(%arg9 : memref<320xi32, #tpu.memory_space<vmem>>)
    %dma_start3A_177 = arith.constant 0 : i32
    %dma_start3A_178 = arith.constant 0 : i32
    %dma_start3A_179 = arith.constant 0 : i32
    %dma_start3A_180 = arith.constant 0 : i32
    %dma_start3A_181 = tpu.memref_slice %arg11[%dma_start3A_177, %dma_start3A_179, %dma_start3A_180] : memref<2x64x128xf32, #tpu.memory_space<vmem>> -> memref<1x64x128xf32, #tpu.memory_space<vmem>>
    %dma_start3A_182 = tpu.memref_squeeze %dma_start3A_181 : memref<1x64x128xf32, #tpu.memory_space<vmem>> -> memref<64x128xf32, #tpu.memory_space<vmem>>
    %dma_start3A_183 = arith.constant 0 : i32
    %dma_start3A_184 = tpu.memref_slice %arg9[%dma_start3A_183] : memref<320xi32, #tpu.memory_space<vmem>> -> memref<64xi32, #tpu.memory_space<vmem>>
    %dma_start3A_185 = arith.constant 0 : i32
    %dma_start3A_186 = arith.constant 0 : i32
    %dma_start3A_187 = tpu.memref_slice %arg5[%dma_start3A_185, %dma_start3A_186] : memref<100000x128xf32, #tpu.memory_space<hbm>> -> memref<100000x128xf32, #tpu.memory_space<hbm>>
    %dma_start3A_188 = tpu.memref_slice %arg13[%dma_start3A_178] : memref<2x!tpu.dma_semaphore, #tpu.memory_space<semaphore_mem>> -> memref<1x!tpu.dma_semaphore, #tpu.memory_space<semaphore_mem>>
    %dma_start3A_189 = tpu.memref_squeeze %dma_start3A_188 : memref<1x!tpu.dma_semaphore, #tpu.memory_space<semaphore_mem>> -> memref<!tpu.dma_semaphore, #tpu.memory_space<semaphore_mem>>
    tpu.enqueue_indirect_dma source(%dma_start3A_187 : memref<100000x128xf32, #tpu.memory_space<hbm>>) target(%dma_start3A_182 : memref<64x128xf32, #tpu.memory_space<vmem>>) offsets(%dma_start3A_184 : memref<64xi32, #tpu.memory_space<vmem>>) semaphore(%dma_start3A_189 : memref<!tpu.dma_semaphore, #tpu.memory_space<semaphore_mem>>)
    %dma_wait3A_190 = arith.constant 0 : i32
    %dma_wait3A_191 = arith.constant 0 : i32
    %dma_wait3A_192 = arith.constant 0 : i32
    %dma_wait3A_193 = arith.constant 0 : i32
    %dma_wait3A_194 = tpu.memref_slice %arg11[%dma_wait3A_190, %dma_wait3A_192, %dma_wait3A_193] : memref<2x64x128xf32, #tpu.memory_space<vmem>> -> memref<1x64x128xf32, #tpu.memory_space<vmem>>
    %dma_wait3A_195 = tpu.memref_squeeze %dma_wait3A_194 : memref<1x64x128xf32, #tpu.memory_space<vmem>> -> memref<64x128xf32, #tpu.memory_space<vmem>>
    %dma_wait3A_196 = arith.constant 0 : i32
    %dma_wait3A_197 = tpu.memref_slice %arg9[%dma_wait3A_196] : memref<320xi32, #tpu.memory_space<vmem>> -> memref<64xi32, #tpu.memory_space<vmem>>
    %dma_wait3A_198 = arith.constant 0 : i32
    %dma_wait3A_199 = arith.constant 0 : i32
    %dma_wait3A_200 = tpu.memref_slice %arg5[%dma_wait3A_198, %dma_wait3A_199] : memref<100000x128xf32, #tpu.memory_space<hbm>> -> memref<100000x128xf32, #tpu.memory_space<hbm>>
    %dma_wait3A_201 = tpu.memref_slice %arg13[%dma_wait3A_191] : memref<2x!tpu.dma_semaphore, #tpu.memory_space<semaphore_mem>> -> memref<1x!tpu.dma_semaphore, #tpu.memory_space<semaphore_mem>>
    %dma_wait3A_202 = tpu.memref_squeeze %dma_wait3A_201 : memref<1x!tpu.dma_semaphore, #tpu.memory_space<semaphore_mem>> -> memref<!tpu.dma_semaphore, #tpu.memory_space<semaphore_mem>>
    tpu.wait_indirect_dma semaphore(%dma_wait3A_202 : memref<!tpu.dma_semaphore, #tpu.memory_space<semaphore_mem>>) src(%dma_wait3A_200 : memref<100000x128xf32, #tpu.memory_space<hbm>>) dst(%dma_wait3A_195 : memref<64x128xf32, #tpu.memory_space<vmem>>)
    %dma_start3A_203 = arith.constant 1 : i32
    %dma_start3A_204 = arith.constant 1 : i32
    %dma_start3A_205 = arith.constant 0 : i32
    %dma_start3A_206 = arith.constant 0 : i32
    %dma_start3A_207 = tpu.memref_slice %arg11[%dma_start3A_203, %dma_start3A_205, %dma_start3A_206] : memref<2x64x128xf32, #tpu.memory_space<vmem>> -> memref<1x64x128xf32, #tpu.memory_space<vmem>>
    %dma_start3A_208 = tpu.memref_squeeze %dma_start3A_207 : memref<1x64x128xf32, #tpu.memory_space<vmem>> -> memref<64x128xf32, #tpu.memory_space<vmem>>
    %dma_start3A_209 = arith.constant 64 : i32
    %dma_start3A_210 = tpu.memref_slice %arg9[%dma_start3A_209] : memref<320xi32, #tpu.memory_space<vmem>> -> memref<64xi32, #tpu.memory_space<vmem>>
    %dma_start3A_211 = arith.constant 0 : i32
    %dma_start3A_212 = arith.constant 0 : i32
    %dma_start3A_213 = tpu.memref_slice %arg5[%dma_start3A_211, %dma_start3A_212] : memref<100000x128xf32, #tpu.memory_space<hbm>> -> memref<100000x128xf32, #tpu.memory_space<hbm>>
    %dma_start3A_214 = tpu.memref_slice %arg13[%dma_start3A_204] : memref<2x!tpu.dma_semaphore, #tpu.memory_space<semaphore_mem>> -> memref<1x!tpu.dma_semaphore, #tpu.memory_space<semaphore_mem>>
    %dma_start3A_215 = tpu.memref_squeeze %dma_start3A_214 : memref<1x!tpu.dma_semaphore, #tpu.memory_space<semaphore_mem>> -> memref<!tpu.dma_semaphore, #tpu.memory_space<semaphore_mem>>
    tpu.enqueue_indirect_dma source(%dma_start3A_213 : memref<100000x128xf32, #tpu.memory_space<hbm>>) target(%dma_start3A_208 : memref<64x128xf32, #tpu.memory_space<vmem>>) offsets(%dma_start3A_210 : memref<64xi32, #tpu.memory_space<vmem>>) semaphore(%dma_start3A_215 : memref<!tpu.dma_semaphore, #tpu.memory_space<semaphore_mem>>)
    %add3A_216 = arith.constant 0 : i32
    %add3A_217 = arith.addi %multiple_of3A, %add3A_216 : i32
    %run_scoped3A = arith.constant 0 : i32
    "tpu.region"() ({
      %run_scoped3A_321 = tpu.sem_alloc : memref<!tpu.dma_semaphore, #tpu.memory_space<semaphore_mem>>
      %dma_start3A_322 = arith.constant 0 : i32
      %dma_start3A_323 = arith.constant 0 : i32
      %dma_start3A_324 = tpu.memref_slice %arg11[%run_scoped3A, %dma_start3A_322, %dma_start3A_323] : memref<2x64x128xf32, #tpu.memory_space<vmem>> -> memref<1x64x128xf32, #tpu.memory_space<vmem>>
      %dma_start3A_325 = tpu.memref_squeeze %dma_start3A_324 : memref<1x64x128xf32, #tpu.memory_space<vmem>> -> memref<64x128xf32, #tpu.memory_space<vmem>>
      %dma_start3A_326 = arith.constant 0 : i32
      %dma_start3A_327 = tpu.memref_slice %arg7[%add3A_217, %dma_start3A_326] : memref<10240x128xf32, #tpu.memory_space<hbm>> -> memref<64x128xf32, #tpu.memory_space<hbm>>
      %dma_start3A_328 = arith.constant 0 : i32
      %dma_start3A_329 = tpu.memref_slice %arg7[%add3A_217, %dma_start3A_328] : memref<10240x128xf32, #tpu.memory_space<hbm>> -> memref<64x128xf32, #tpu.memory_space<hbm>>
      %dma_start3A_330 = arith.constant 0 : i32
      %dma_start3A_331 = arith.constant 0 : i32
      %dma_start3A_332 = tpu.memref_slice %arg11[%run_scoped3A, %dma_start3A_330, %dma_start3A_331] : memref<2x64x128xf32, #tpu.memory_space<vmem>> -> memref<1x64x128xf32, #tpu.memory_space<vmem>>
      %dma_start3A_333 = tpu.memref_squeeze %dma_start3A_332 : memref<1x64x128xf32, #tpu.memory_space<vmem>> -> memref<64x128xf32, #tpu.memory_space<vmem>>
      tpu.enqueue_dma source(%dma_start3A_333 : memref<64x128xf32, #tpu.memory_space<vmem>>) target(%dma_start3A_329 : memref<64x128xf32, #tpu.memory_space<hbm>>) target_semaphore(%run_scoped3A_321 : memref<!tpu.dma_semaphore, #tpu.memory_space<semaphore_mem>>)
      %dma_wait3A_334 = arith.constant 0 : i32
      %dma_wait3A_335 = arith.constant 0 : i32
      %dma_wait3A_336 = tpu.memref_slice %arg11[%run_scoped3A, %dma_wait3A_334, %dma_wait3A_335] : memref<2x64x128xf32, #tpu.memory_space<vmem>> -> memref<1x64x128xf32, #tpu.memory_space<vmem>>
      %dma_wait3A_337 = tpu.memref_squeeze %dma_wait3A_336 : memref<1x64x128xf32, #tpu.memory_space<vmem>> -> memref<64x128xf32, #tpu.memory_space<vmem>>
      %dma_wait3A_338 = arith.constant 0 : i32
      %dma_wait3A_339 = tpu.memref_slice %arg7[%add3A_217, %dma_wait3A_338] : memref<10240x128xf32, #tpu.memory_space<hbm>> -> memref<64x128xf32, #tpu.memory_space<hbm>>
      %dma_wait3A_340 = arith.constant 0 : i32
      %dma_wait3A_341 = tpu.memref_slice %arg7[%add3A_217, %dma_wait3A_340] : memref<10240x128xf32, #tpu.memory_space<hbm>> -> memref<64x128xf32, #tpu.memory_space<hbm>>
      %dma_wait3A_342 = arith.constant 0 : i32
      %dma_wait3A_343 = arith.constant 0 : i32
      %dma_wait3A_344 = tpu.memref_slice %arg11[%run_scoped3A, %dma_wait3A_342, %dma_wait3A_343] : memref<2x64x128xf32, #tpu.memory_space<vmem>> -> memref<1x64x128xf32, #tpu.memory_space<vmem>>
      %dma_wait3A_345 = tpu.memref_squeeze %dma_wait3A_344 : memref<1x64x128xf32, #tpu.memory_space<vmem>> -> memref<64x128xf32, #tpu.memory_space<vmem>>
      tpu.wait_dma2 semaphore(%run_scoped3A_321 : memref<!tpu.dma_semaphore, #tpu.memory_space<semaphore_mem>>) src(%dma_wait3A_345 : memref<64x128xf32, #tpu.memory_space<vmem>>) dst(%dma_wait3A_341 : memref<64x128xf32, #tpu.memory_space<hbm>>)
      tpu.yield
    }) : () -> ()
    %dma_wait3A_218 = arith.constant 1 : i32
    %dma_wait3A_219 = arith.constant 1 : i32
    %dma_wait3A_220 = arith.constant 0 : i32
    %dma_wait3A_221 = arith.constant 0 : i32
    %dma_wait3A_222 = tpu.memref_slice %arg11[%dma_wait3A_218, %dma_wait3A_220, %dma_wait3A_221] : memref<2x64x128xf32, #tpu.memory_space<vmem>> -> memref<1x64x128xf32, #tpu.memory_space<vmem>>
    %dma_wait3A_223 = tpu.memref_squeeze %dma_wait3A_222 : memref<1x64x128xf32, #tpu.memory_space<vmem>> -> memref<64x128xf32, #tpu.memory_space<vmem>>
    %dma_wait3A_224 = arith.constant 64 : i32
    %dma_wait3A_225 = tpu.memref_slice %arg9[%dma_wait3A_224] : memref<320xi32, #tpu.memory_space<vmem>> -> memref<64xi32, #tpu.memory_space<vmem>>
    %dma_wait3A_226 = arith.constant 0 : i32
    %dma_wait3A_227 = arith.constant 0 : i32
    %dma_wait3A_228 = tpu.memref_slice %arg5[%dma_wait3A_226, %dma_wait3A_227] : memref<100000x128xf32, #tpu.memory_space<hbm>> -> memref<100000x128xf32, #tpu.memory_space<hbm>>
    %dma_wait3A_229 = tpu.memref_slice %arg13[%dma_wait3A_219] : memref<2x!tpu.dma_semaphore, #tpu.memory_space<semaphore_mem>> -> memref<1x!tpu.dma_semaphore, #tpu.memory_space<semaphore_mem>>
    %dma_wait3A_230 = tpu.memref_squeeze %dma_wait3A_229 : memref<1x!tpu.dma_semaphore, #tpu.memory_space<semaphore_mem>> -> memref<!tpu.dma_semaphore, #tpu.memory_space<semaphore_mem>>
    tpu.wait_indirect_dma semaphore(%dma_wait3A_230 : memref<!tpu.dma_semaphore, #tpu.memory_space<semaphore_mem>>) src(%dma_wait3A_228 : memref<100000x128xf32, #tpu.memory_space<hbm>>) dst(%dma_wait3A_223 : memref<64x128xf32, #tpu.memory_space<vmem>>)
    %dma_start3A_231 = arith.constant 0 : i32
    %dma_start3A_232 = arith.constant 0 : i32
    %dma_start3A_233 = arith.constant 0 : i32
    %dma_start3A_234 = arith.constant 0 : i32
    %dma_start3A_235 = tpu.memref_slice %arg11[%dma_start3A_231, %dma_start3A_233, %dma_start3A_234] : memref<2x64x128xf32, #tpu.memory_space<vmem>> -> memref<1x64x128xf32, #tpu.memory_space<vmem>>
    %dma_start3A_236 = tpu.memref_squeeze %dma_start3A_235 : memref<1x64x128xf32, #tpu.memory_space<vmem>> -> memref<64x128xf32, #tpu.memory_space<vmem>>
    %dma_start3A_237 = arith.constant 128 : i32
    %dma_start3A_238 = tpu.memref_slice %arg9[%dma_start3A_237] : memref<320xi32, #tpu.memory_space<vmem>> -> memref<64xi32, #tpu.memory_space<vmem>>
    %dma_start3A_239 = arith.constant 0 : i32
    %dma_start3A_240 = arith.constant 0 : i32
    %dma_start3A_241 = tpu.memref_slice %arg5[%dma_start3A_239, %dma_start3A_240] : memref<100000x128xf32, #tpu.memory_space<hbm>> -> memref<100000x128xf32, #tpu.memory_space<hbm>>
    %dma_start3A_242 = tpu.memref_slice %arg13[%dma_start3A_232] : memref<2x!tpu.dma_semaphore, #tpu.memory_space<semaphore_mem>> -> memref<1x!tpu.dma_semaphore, #tpu.memory_space<semaphore_mem>>
    %dma_start3A_243 = tpu.memref_squeeze %dma_start3A_242 : memref<1x!tpu.dma_semaphore, #tpu.memory_space<semaphore_mem>> -> memref<!tpu.dma_semaphore, #tpu.memory_space<semaphore_mem>>
    tpu.enqueue_indirect_dma source(%dma_start3A_241 : memref<100000x128xf32, #tpu.memory_space<hbm>>) target(%dma_start3A_236 : memref<64x128xf32, #tpu.memory_space<vmem>>) offsets(%dma_start3A_238 : memref<64xi32, #tpu.memory_space<vmem>>) semaphore(%dma_start3A_243 : memref<!tpu.dma_semaphore, #tpu.memory_space<semaphore_mem>>)
    %add3A_244 = arith.constant 64 : i32
    %add3A_245 = arith.addi %multiple_of3A, %add3A_244 : i32
    %run_scoped3A_246 = arith.constant 1 : i32
    "tpu.region"() ({
      %run_scoped3A_321 = tpu.sem_alloc : memref<!tpu.dma_semaphore, #tpu.memory_space<semaphore_mem>>
      %dma_start3A_322 = arith.constant 0 : i32
      %dma_start3A_323 = arith.constant 0 : i32
      %dma_start3A_324 = tpu.memref_slice %arg11[%run_scoped3A_246, %dma_start3A_322, %dma_start3A_323] : memref<2x64x128xf32, #tpu.memory_space<vmem>> -> memref<1x64x128xf32, #tpu.memory_space<vmem>>
      %dma_start3A_325 = tpu.memref_squeeze %dma_start3A_324 : memref<1x64x128xf32, #tpu.memory_space<vmem>> -> memref<64x128xf32, #tpu.memory_space<vmem>>
      %dma_start3A_326 = arith.constant 0 : i32
      %dma_start3A_327 = tpu.memref_slice %arg7[%add3A_245, %dma_start3A_326] : memref<10240x128xf32, #tpu.memory_space<hbm>> -> memref<64x128xf32, #tpu.memory_space<hbm>>
      %dma_start3A_328 = arith.constant 0 : i32
      %dma_start3A_329 = tpu.memref_slice %arg7[%add3A_245, %dma_start3A_328] : memref<10240x128xf32, #tpu.memory_space<hbm>> -> memref<64x128xf32, #tpu.memory_space<hbm>>
      %dma_start3A_330 = arith.constant 0 : i32
      %dma_start3A_331 = arith.constant 0 : i32
      %dma_start3A_332 = tpu.memref_slice %arg11[%run_scoped3A_246, %dma_start3A_330, %dma_start3A_331] : memref<2x64x128xf32, #tpu.memory_space<vmem>> -> memref<1x64x128xf32, #tpu.memory_space<vmem>>
      %dma_start3A_333 = tpu.memref_squeeze %dma_start3A_332 : memref<1x64x128xf32, #tpu.memory_space<vmem>> -> memref<64x128xf32, #tpu.memory_space<vmem>>
      tpu.enqueue_dma source(%dma_start3A_333 : memref<64x128xf32, #tpu.memory_space<vmem>>) target(%dma_start3A_329 : memref<64x128xf32, #tpu.memory_space<hbm>>) target_semaphore(%run_scoped3A_321 : memref<!tpu.dma_semaphore, #tpu.memory_space<semaphore_mem>>)
      %dma_wait3A_334 = arith.constant 0 : i32
      %dma_wait3A_335 = arith.constant 0 : i32
      %dma_wait3A_336 = tpu.memref_slice %arg11[%run_scoped3A_246, %dma_wait3A_334, %dma_wait3A_335] : memref<2x64x128xf32, #tpu.memory_space<vmem>> -> memref<1x64x128xf32, #tpu.memory_space<vmem>>
      %dma_wait3A_337 = tpu.memref_squeeze %dma_wait3A_336 : memref<1x64x128xf32, #tpu.memory_space<vmem>> -> memref<64x128xf32, #tpu.memory_space<vmem>>
      %dma_wait3A_338 = arith.constant 0 : i32
      %dma_wait3A_339 = tpu.memref_slice %arg7[%add3A_245, %dma_wait3A_338] : memref<10240x128xf32, #tpu.memory_space<hbm>> -> memref<64x128xf32, #tpu.memory_space<hbm>>
      %dma_wait3A_340 = arith.constant 0 : i32
      %dma_wait3A_341 = tpu.memref_slice %arg7[%add3A_245, %dma_wait3A_340] : memref<10240x128xf32, #tpu.memory_space<hbm>> -> memref<64x128xf32, #tpu.memory_space<hbm>>
      %dma_wait3A_342 = arith.constant 0 : i32
      %dma_wait3A_343 = arith.constant 0 : i32
      %dma_wait3A_344 = tpu.memref_slice %arg11[%run_scoped3A_246, %dma_wait3A_342, %dma_wait3A_343] : memref<2x64x128xf32, #tpu.memory_space<vmem>> -> memref<1x64x128xf32, #tpu.memory_space<vmem>>
      %dma_wait3A_345 = tpu.memref_squeeze %dma_wait3A_344 : memref<1x64x128xf32, #tpu.memory_space<vmem>> -> memref<64x128xf32, #tpu.memory_space<vmem>>
      tpu.wait_dma2 semaphore(%run_scoped3A_321 : memref<!tpu.dma_semaphore, #tpu.memory_space<semaphore_mem>>) src(%dma_wait3A_345 : memref<64x128xf32, #tpu.memory_space<vmem>>) dst(%dma_wait3A_341 : memref<64x128xf32, #tpu.memory_space<hbm>>)
      tpu.yield
    }) : () -> ()
    %dma_wait3A_247 = arith.constant 0 : i32
    %dma_wait3A_248 = arith.constant 0 : i32
    %dma_wait3A_249 = arith.constant 0 : i32
    %dma_wait3A_250 = arith.constant 0 : i32
    %dma_wait3A_251 = tpu.memref_slice %arg11[%dma_wait3A_247, %dma_wait3A_249, %dma_wait3A_250] : memref<2x64x128xf32, #tpu.memory_space<vmem>> -> memref<1x64x128xf32, #tpu.memory_space<vmem>>
    %dma_wait3A_252 = tpu.memref_squeeze %dma_wait3A_251 : memref<1x64x128xf32, #tpu.memory_space<vmem>> -> memref<64x128xf32, #tpu.memory_space<vmem>>
    %dma_wait3A_253 = arith.constant 128 : i32
    %dma_wait3A_254 = tpu.memref_slice %arg9[%dma_wait3A_253] : memref<320xi32, #tpu.memory_space<vmem>> -> memref<64xi32, #tpu.memory_space<vmem>>
    %dma_wait3A_255 = arith.constant 0 : i32
    %dma_wait3A_256 = arith.constant 0 : i32
    %dma_wait3A_257 = tpu.memref_slice %arg5[%dma_wait3A_255, %dma_wait3A_256] : memref<100000x128xf32, #tpu.memory_space<hbm>> -> memref<100000x128xf32, #tpu.memory_space<hbm>>
    %dma_wait3A_258 = tpu.memref_slice %arg13[%dma_wait3A_248] : memref<2x!tpu.dma_semaphore, #tpu.memory_space<semaphore_mem>> -> memref<1x!tpu.dma_semaphore, #tpu.memory_space<semaphore_mem>>
    %dma_wait3A_259 = tpu.memref_squeeze %dma_wait3A_258 : memref<1x!tpu.dma_semaphore, #tpu.memory_space<semaphore_mem>> -> memref<!tpu.dma_semaphore, #tpu.memory_space<semaphore_mem>>
    tpu.wait_indirect_dma semaphore(%dma_wait3A_259 : memref<!tpu.dma_semaphore, #tpu.memory_space<semaphore_mem>>) src(%dma_wait3A_257 : memref<100000x128xf32, #tpu.memory_space<hbm>>) dst(%dma_wait3A_252 : memref<64x128xf32, #tpu.memory_space<vmem>>)
    %dma_start3A_260 = arith.constant 1 : i32
    %dma_start3A_261 = arith.constant 1 : i32
    %dma_start3A_262 = arith.constant 0 : i32
    %dma_start3A_263 = arith.constant 0 : i32
    %dma_start3A_264 = tpu.memref_slice %arg11[%dma_start3A_260, %dma_start3A_262, %dma_start3A_263] : memref<2x64x128xf32, #tpu.memory_space<vmem>> -> memref<1x64x128xf32, #tpu.memory_space<vmem>>
    %dma_start3A_265 = tpu.memref_squeeze %dma_start3A_264 : memref<1x64x128xf32, #tpu.memory_space<vmem>> -> memref<64x128xf32, #tpu.memory_space<vmem>>
    %dma_start3A_266 = arith.constant 192 : i32
    %dma_start3A_267 = tpu.memref_slice %arg9[%dma_start3A_266] : memref<320xi32, #tpu.memory_space<vmem>> -> memref<64xi32, #tpu.memory_space<vmem>>
    %dma_start3A_268 = arith.constant 0 : i32
    %dma_start3A_269 = arith.constant 0 : i32
    %dma_start3A_270 = tpu.memref_slice %arg5[%dma_start3A_268, %dma_start3A_269] : memref<100000x128xf32, #tpu.memory_space<hbm>> -> memref<100000x128xf32, #tpu.memory_space<hbm>>
    %dma_start3A_271 = tpu.memref_slice %arg13[%dma_start3A_261] : memref<2x!tpu.dma_semaphore, #tpu.memory_space<semaphore_mem>> -> memref<1x!tpu.dma_semaphore, #tpu.memory_space<semaphore_mem>>
    %dma_start3A_272 = tpu.memref_squeeze %dma_start3A_271 : memref<1x!tpu.dma_semaphore, #tpu.memory_space<semaphore_mem>> -> memref<!tpu.dma_semaphore, #tpu.memory_space<semaphore_mem>>
    tpu.enqueue_indirect_dma source(%dma_start3A_270 : memref<100000x128xf32, #tpu.memory_space<hbm>>) target(%dma_start3A_265 : memref<64x128xf32, #tpu.memory_space<vmem>>) offsets(%dma_start3A_267 : memref<64xi32, #tpu.memory_space<vmem>>) semaphore(%dma_start3A_272 : memref<!tpu.dma_semaphore, #tpu.memory_space<semaphore_mem>>)
    %add3A_273 = arith.constant 128 : i32
    %add3A_274 = arith.addi %multiple_of3A, %add3A_273 : i32
    %run_scoped3A_275 = arith.constant 0 : i32
    "tpu.region"() ({
      %run_scoped3A_321 = tpu.sem_alloc : memref<!tpu.dma_semaphore, #tpu.memory_space<semaphore_mem>>
      %dma_start3A_322 = arith.constant 0 : i32
      %dma_start3A_323 = arith.constant 0 : i32
      %dma_start3A_324 = tpu.memref_slice %arg11[%run_scoped3A_275, %dma_start3A_322, %dma_start3A_323] : memref<2x64x128xf32, #tpu.memory_space<vmem>> -> memref<1x64x128xf32, #tpu.memory_space<vmem>>
      %dma_start3A_325 = tpu.memref_squeeze %dma_start3A_324 : memref<1x64x128xf32, #tpu.memory_space<vmem>> -> memref<64x128xf32, #tpu.memory_space<vmem>>
      %dma_start3A_326 = arith.constant 0 : i32
      %dma_start3A_327 = tpu.memref_slice %arg7[%add3A_274, %dma_start3A_326] : memref<10240x128xf32, #tpu.memory_space<hbm>> -> memref<64x128xf32, #tpu.memory_space<hbm>>
      %dma_start3A_328 = arith.constant 0 : i32
      %dma_start3A_329 = tpu.memref_slice %arg7[%add3A_274, %dma_start3A_328] : memref<10240x128xf32, #tpu.memory_space<hbm>> -> memref<64x128xf32, #tpu.memory_space<hbm>>
      %dma_start3A_330 = arith.constant 0 : i32
      %dma_start3A_331 = arith.constant 0 : i32
      %dma_start3A_332 = tpu.memref_slice %arg11[%run_scoped3A_275, %dma_start3A_330, %dma_start3A_331] : memref<2x64x128xf32, #tpu.memory_space<vmem>> -> memref<1x64x128xf32, #tpu.memory_space<vmem>>
      %dma_start3A_333 = tpu.memref_squeeze %dma_start3A_332 : memref<1x64x128xf32, #tpu.memory_space<vmem>> -> memref<64x128xf32, #tpu.memory_space<vmem>>
      tpu.enqueue_dma source(%dma_start3A_333 : memref<64x128xf32, #tpu.memory_space<vmem>>) target(%dma_start3A_329 : memref<64x128xf32, #tpu.memory_space<hbm>>) target_semaphore(%run_scoped3A_321 : memref<!tpu.dma_semaphore, #tpu.memory_space<semaphore_mem>>)
      %dma_wait3A_334 = arith.constant 0 : i32
      %dma_wait3A_335 = arith.constant 0 : i32
      %dma_wait3A_336 = tpu.memref_slice %arg11[%run_scoped3A_275, %dma_wait3A_334, %dma_wait3A_335] : memref<2x64x128xf32, #tpu.memory_space<vmem>> -> memref<1x64x128xf32, #tpu.memory_space<vmem>>
      %dma_wait3A_337 = tpu.memref_squeeze %dma_wait3A_336 : memref<1x64x128xf32, #tpu.memory_space<vmem>> -> memref<64x128xf32, #tpu.memory_space<vmem>>
      %dma_wait3A_338 = arith.constant 0 : i32
      %dma_wait3A_339 = tpu.memref_slice %arg7[%add3A_274, %dma_wait3A_338] : memref<10240x128xf32, #tpu.memory_space<hbm>> -> memref<64x128xf32, #tpu.memory_space<hbm>>
      %dma_wait3A_340 = arith.constant 0 : i32
      %dma_wait3A_341 = tpu.memref_slice %arg7[%add3A_274, %dma_wait3A_340] : memref<10240x128xf32, #tpu.memory_space<hbm>> -> memref<64x128xf32, #tpu.memory_space<hbm>>
      %dma_wait3A_342 = arith.constant 0 : i32
      %dma_wait3A_343 = arith.constant 0 : i32
      %dma_wait3A_344 = tpu.memref_slice %arg11[%run_scoped3A_275, %dma_wait3A_342, %dma_wait3A_343] : memref<2x64x128xf32, #tpu.memory_space<vmem>> -> memref<1x64x128xf32, #tpu.memory_space<vmem>>
      %dma_wait3A_345 = tpu.memref_squeeze %dma_wait3A_344 : memref<1x64x128xf32, #tpu.memory_space<vmem>> -> memref<64x128xf32, #tpu.memory_space<vmem>>
      tpu.wait_dma2 semaphore(%run_scoped3A_321 : memref<!tpu.dma_semaphore, #tpu.memory_space<semaphore_mem>>) src(%dma_wait3A_345 : memref<64x128xf32, #tpu.memory_space<vmem>>) dst(%dma_wait3A_341 : memref<64x128xf32, #tpu.memory_space<hbm>>)
      tpu.yield
    }) : () -> ()
    %dma_wait3A_276 = arith.constant 1 : i32
    %dma_wait3A_277 = arith.constant 1 : i32
    %dma_wait3A_278 = arith.constant 0 : i32
    %dma_wait3A_279 = arith.constant 0 : i32
    %dma_wait3A_280 = tpu.memref_slice %arg11[%dma_wait3A_276, %dma_wait3A_278, %dma_wait3A_279] : memref<2x64x128xf32, #tpu.memory_space<vmem>> -> memref<1x64x128xf32, #tpu.memory_space<vmem>>
    %dma_wait3A_281 = tpu.memref_squeeze %dma_wait3A_280 : memref<1x64x128xf32, #tpu.memory_space<vmem>> -> memref<64x128xf32, #tpu.memory_space<vmem>>
    %dma_wait3A_282 = arith.constant 192 : i32
    %dma_wait3A_283 = tpu.memref_slice %arg9[%dma_wait3A_282] : memref<320xi32, #tpu.memory_space<vmem>> -> memref<64xi32, #tpu.memory_space<vmem>>
    %dma_wait3A_284 = arith.constant 0 : i32
    %dma_wait3A_285 = arith.constant 0 : i32
    %dma_wait3A_286 = tpu.memref_slice %arg5[%dma_wait3A_284, %dma_wait3A_285] : memref<100000x128xf32, #tpu.memory_space<hbm>> -> memref<100000x128xf32, #tpu.memory_space<hbm>>
    %dma_wait3A_287 = tpu.memref_slice %arg13[%dma_wait3A_277] : memref<2x!tpu.dma_semaphore, #tpu.memory_space<semaphore_mem>> -> memref<1x!tpu.dma_semaphore, #tpu.memory_space<semaphore_mem>>
    %dma_wait3A_288 = tpu.memref_squeeze %dma_wait3A_287 : memref<1x!tpu.dma_semaphore, #tpu.memory_space<semaphore_mem>> -> memref<!tpu.dma_semaphore, #tpu.memory_space<semaphore_mem>>
    tpu.wait_indirect_dma semaphore(%dma_wait3A_288 : memref<!tpu.dma_semaphore, #tpu.memory_space<semaphore_mem>>) src(%dma_wait3A_286 : memref<100000x128xf32, #tpu.memory_space<hbm>>) dst(%dma_wait3A_281 : memref<64x128xf32, #tpu.memory_space<vmem>>)
    %dma_start3A_289 = arith.constant 0 : i32
    %dma_start3A_290 = arith.constant 0 : i32
    %dma_start3A_291 = arith.constant 0 : i32
    %dma_start3A_292 = arith.constant 0 : i32
    %dma_start3A_293 = tpu.memref_slice %arg11[%dma_start3A_289, %dma_start3A_291, %dma_start3A_292] : memref<2x64x128xf32, #tpu.memory_space<vmem>> -> memref<1x64x128xf32, #tpu.memory_space<vmem>>
    %dma_start3A_294 = tpu.memref_squeeze %dma_start3A_293 : memref<1x64x128xf32, #tpu.memory_space<vmem>> -> memref<64x128xf32, #tpu.memory_space<vmem>>
    %dma_start3A_295 = arith.constant 256 : i32
    %dma_start3A_296 = tpu.memref_slice %arg9[%dma_start3A_295] : memref<320xi32, #tpu.memory_space<vmem>> -> memref<64xi32, #tpu.memory_space<vmem>>
    %dma_start3A_297 = arith.constant 0 : i32
    %dma_start3A_298 = arith.constant 0 : i32
    %dma_start3A_299 = tpu.memref_slice %arg5[%dma_start3A_297, %dma_start3A_298] : memref<100000x128xf32, #tpu.memory_space<hbm>> -> memref<100000x128xf32, #tpu.memory_space<hbm>>
    %dma_start3A_300 = tpu.memref_slice %arg13[%dma_start3A_290] : memref<2x!tpu.dma_semaphore, #tpu.memory_space<semaphore_mem>> -> memref<1x!tpu.dma_semaphore, #tpu.memory_space<semaphore_mem>>
    %dma_start3A_301 = tpu.memref_squeeze %dma_start3A_300 : memref<1x!tpu.dma_semaphore, #tpu.memory_space<semaphore_mem>> -> memref<!tpu.dma_semaphore, #tpu.memory_space<semaphore_mem>>
    tpu.enqueue_indirect_dma source(%dma_start3A_299 : memref<100000x128xf32, #tpu.memory_space<hbm>>) target(%dma_start3A_294 : memref<64x128xf32, #tpu.memory_space<vmem>>) offsets(%dma_start3A_296 : memref<64xi32, #tpu.memory_space<vmem>>) semaphore(%dma_start3A_301 : memref<!tpu.dma_semaphore, #tpu.memory_space<semaphore_mem>>)
    %add3A_302 = arith.constant 192 : i32
    %add3A_303 = arith.addi %multiple_of3A, %add3A_302 : i32
    %run_scoped3A_304 = arith.constant 1 : i32
    "tpu.region"() ({
      %run_scoped3A_321 = tpu.sem_alloc : memref<!tpu.dma_semaphore, #tpu.memory_space<semaphore_mem>>
      %dma_start3A_322 = arith.constant 0 : i32
      %dma_start3A_323 = arith.constant 0 : i32
      %dma_start3A_324 = tpu.memref_slice %arg11[%run_scoped3A_304, %dma_start3A_322, %dma_start3A_323] : memref<2x64x128xf32, #tpu.memory_space<vmem>> -> memref<1x64x128xf32, #tpu.memory_space<vmem>>
      %dma_start3A_325 = tpu.memref_squeeze %dma_start3A_324 : memref<1x64x128xf32, #tpu.memory_space<vmem>> -> memref<64x128xf32, #tpu.memory_space<vmem>>
      %dma_start3A_326 = arith.constant 0 : i32
      %dma_start3A_327 = tpu.memref_slice %arg7[%add3A_303, %dma_start3A_326] : memref<10240x128xf32, #tpu.memory_space<hbm>> -> memref<64x128xf32, #tpu.memory_space<hbm>>
      %dma_start3A_328 = arith.constant 0 : i32
      %dma_start3A_329 = tpu.memref_slice %arg7[%add3A_303, %dma_start3A_328] : memref<10240x128xf32, #tpu.memory_space<hbm>> -> memref<64x128xf32, #tpu.memory_space<hbm>>
      %dma_start3A_330 = arith.constant 0 : i32
      %dma_start3A_331 = arith.constant 0 : i32
      %dma_start3A_332 = tpu.memref_slice %arg11[%run_scoped3A_304, %dma_start3A_330, %dma_start3A_331] : memref<2x64x128xf32, #tpu.memory_space<vmem>> -> memref<1x64x128xf32, #tpu.memory_space<vmem>>
      %dma_start3A_333 = tpu.memref_squeeze %dma_start3A_332 : memref<1x64x128xf32, #tpu.memory_space<vmem>> -> memref<64x128xf32, #tpu.memory_space<vmem>>
      tpu.enqueue_dma source(%dma_start3A_333 : memref<64x128xf32, #tpu.memory_space<vmem>>) target(%dma_start3A_329 : memref<64x128xf32, #tpu.memory_space<hbm>>) target_semaphore(%run_scoped3A_321 : memref<!tpu.dma_semaphore, #tpu.memory_space<semaphore_mem>>)
      %dma_wait3A_334 = arith.constant 0 : i32
      %dma_wait3A_335 = arith.constant 0 : i32
      %dma_wait3A_336 = tpu.memref_slice %arg11[%run_scoped3A_304, %dma_wait3A_334, %dma_wait3A_335] : memref<2x64x128xf32, #tpu.memory_space<vmem>> -> memref<1x64x128xf32, #tpu.memory_space<vmem>>
      %dma_wait3A_337 = tpu.memref_squeeze %dma_wait3A_336 : memref<1x64x128xf32, #tpu.memory_space<vmem>> -> memref<64x128xf32, #tpu.memory_space<vmem>>
      %dma_wait3A_338 = arith.constant 0 : i32
      %dma_wait3A_339 = tpu.memref_slice %arg7[%add3A_303, %dma_wait3A_338] : memref<10240x128xf32, #tpu.memory_space<hbm>> -> memref<64x128xf32, #tpu.memory_space<hbm>>
      %dma_wait3A_340 = arith.constant 0 : i32
      %dma_wait3A_341 = tpu.memref_slice %arg7[%add3A_303, %dma_wait3A_340] : memref<10240x128xf32, #tpu.memory_space<hbm>> -> memref<64x128xf32, #tpu.memory_space<hbm>>
      %dma_wait3A_342 = arith.constant 0 : i32
      %dma_wait3A_343 = arith.constant 0 : i32
      %dma_wait3A_344 = tpu.memref_slice %arg11[%run_scoped3A_304, %dma_wait3A_342, %dma_wait3A_343] : memref<2x64x128xf32, #tpu.memory_space<vmem>> -> memref<1x64x128xf32, #tpu.memory_space<vmem>>
      %dma_wait3A_345 = tpu.memref_squeeze %dma_wait3A_344 : memref<1x64x128xf32, #tpu.memory_space<vmem>> -> memref<64x128xf32, #tpu.memory_space<vmem>>
      tpu.wait_dma2 semaphore(%run_scoped3A_321 : memref<!tpu.dma_semaphore, #tpu.memory_space<semaphore_mem>>) src(%dma_wait3A_345 : memref<64x128xf32, #tpu.memory_space<vmem>>) dst(%dma_wait3A_341 : memref<64x128xf32, #tpu.memory_space<hbm>>)
      tpu.yield
    }) : () -> ()
    %dma_wait3A_305 = arith.constant 0 : i32
    %dma_wait3A_306 = arith.constant 0 : i32
    %dma_wait3A_307 = arith.constant 0 : i32
    %dma_wait3A_308 = arith.constant 0 : i32
    %dma_wait3A_309 = tpu.memref_slice %arg11[%dma_wait3A_305, %dma_wait3A_307, %dma_wait3A_308] : memref<2x64x128xf32, #tpu.memory_space<vmem>> -> memref<1x64x128xf32, #tpu.memory_space<vmem>>
    %dma_wait3A_310 = tpu.memref_squeeze %dma_wait3A_309 : memref<1x64x128xf32, #tpu.memory_space<vmem>> -> memref<64x128xf32, #tpu.memory_space<vmem>>
    %dma_wait3A_311 = arith.constant 256 : i32
    %dma_wait3A_312 = tpu.memref_slice %arg9[%dma_wait3A_311] : memref<320xi32, #tpu.memory_space<vmem>> -> memref<64xi32, #tpu.memory_space<vmem>>
    %dma_wait3A_313 = arith.constant 0 : i32
    %dma_wait3A_314 = arith.constant 0 : i32
    %dma_wait3A_315 = tpu.memref_slice %arg5[%dma_wait3A_313, %dma_wait3A_314] : memref<100000x128xf32, #tpu.memory_space<hbm>> -> memref<100000x128xf32, #tpu.memory_space<hbm>>
    %dma_wait3A_316 = tpu.memref_slice %arg13[%dma_wait3A_306] : memref<2x!tpu.dma_semaphore, #tpu.memory_space<semaphore_mem>> -> memref<1x!tpu.dma_semaphore, #tpu.memory_space<semaphore_mem>>
    %dma_wait3A_317 = tpu.memref_squeeze %dma_wait3A_316 : memref<1x!tpu.dma_semaphore, #tpu.memory_space<semaphore_mem>> -> memref<!tpu.dma_semaphore, #tpu.memory_space<semaphore_mem>>
    tpu.wait_indirect_dma semaphore(%dma_wait3A_317 : memref<!tpu.dma_semaphore, #tpu.memory_space<semaphore_mem>>) src(%dma_wait3A_315 : memref<100000x128xf32, #tpu.memory_space<hbm>>) dst(%dma_wait3A_310 : memref<64x128xf32, #tpu.memory_space<vmem>>)
    %add3A_318 = arith.constant 256 : i32
    %add3A_319 = arith.addi %multiple_of3A, %add3A_318 : i32
    %run_scoped3A_320 = arith.constant 0 : i32
    "tpu.region"() ({
      %run_scoped3A_321 = tpu.sem_alloc : memref<!tpu.dma_semaphore, #tpu.memory_space<semaphore_mem>>
      %dma_start3A_322 = arith.constant 0 : i32
      %dma_start3A_323 = arith.constant 0 : i32
      %dma_start3A_324 = tpu.memref_slice %arg11[%run_scoped3A_320, %dma_start3A_322, %dma_start3A_323] : memref<2x64x128xf32, #tpu.memory_space<vmem>> -> memref<1x64x128xf32, #tpu.memory_space<vmem>>
      %dma_start3A_325 = tpu.memref_squeeze %dma_start3A_324 : memref<1x64x128xf32, #tpu.memory_space<vmem>> -> memref<64x128xf32, #tpu.memory_space<vmem>>
      %dma_start3A_326 = arith.constant 0 : i32
      %dma_start3A_327 = tpu.memref_slice %arg7[%add3A_319, %dma_start3A_326] : memref<10240x128xf32, #tpu.memory_space<hbm>> -> memref<64x128xf32, #tpu.memory_space<hbm>>
      %dma_start3A_328 = arith.constant 0 : i32
      %dma_start3A_329 = tpu.memref_slice %arg7[%add3A_319, %dma_start3A_328] : memref<10240x128xf32, #tpu.memory_space<hbm>> -> memref<64x128xf32, #tpu.memory_space<hbm>>
      %dma_start3A_330 = arith.constant 0 : i32
      %dma_start3A_331 = arith.constant 0 : i32
      %dma_start3A_332 = tpu.memref_slice %arg11[%run_scoped3A_320, %dma_start3A_330, %dma_start3A_331] : memref<2x64x128xf32, #tpu.memory_space<vmem>> -> memref<1x64x128xf32, #tpu.memory_space<vmem>>
      %dma_start3A_333 = tpu.memref_squeeze %dma_start3A_332 : memref<1x64x128xf32, #tpu.memory_space<vmem>> -> memref<64x128xf32, #tpu.memory_space<vmem>>
      tpu.enqueue_dma source(%dma_start3A_333 : memref<64x128xf32, #tpu.memory_space<vmem>>) target(%dma_start3A_329 : memref<64x128xf32, #tpu.memory_space<hbm>>) target_semaphore(%run_scoped3A_321 : memref<!tpu.dma_semaphore, #tpu.memory_space<semaphore_mem>>)
      %dma_wait3A_334 = arith.constant 0 : i32
      %dma_wait3A_335 = arith.constant 0 : i32
      %dma_wait3A_336 = tpu.memref_slice %arg11[%run_scoped3A_320, %dma_wait3A_334, %dma_wait3A_335] : memref<2x64x128xf32, #tpu.memory_space<vmem>> -> memref<1x64x128xf32, #tpu.memory_space<vmem>>
      %dma_wait3A_337 = tpu.memref_squeeze %dma_wait3A_336 : memref<1x64x128xf32, #tpu.memory_space<vmem>> -> memref<64x128xf32, #tpu.memory_space<vmem>>
      %dma_wait3A_338 = arith.constant 0 : i32
      %dma_wait3A_339 = tpu.memref_slice %arg7[%add3A_319, %dma_wait3A_338] : memref<10240x128xf32, #tpu.memory_space<hbm>> -> memref<64x128xf32, #tpu.memory_space<hbm>>
      %dma_wait3A_340 = arith.constant 0 : i32
      %dma_wait3A_341 = tpu.memref_slice %arg7[%add3A_319, %dma_wait3A_340] : memref<10240x128xf32, #tpu.memory_space<hbm>> -> memref<64x128xf32, #tpu.memory_space<hbm>>
      %dma_wait3A_342 = arith.constant 0 : i32
      %dma_wait3A_343 = arith.constant 0 : i32
      %dma_wait3A_344 = tpu.memref_slice %arg11[%run_scoped3A_320, %dma_wait3A_342, %dma_wait3A_343] : memref<2x64x128xf32, #tpu.memory_space<vmem>> -> memref<1x64x128xf32, #tpu.memory_space<vmem>>
      %dma_wait3A_345 = tpu.memref_squeeze %dma_wait3A_344 : memref<1x64x128xf32, #tpu.memory_space<vmem>> -> memref<64x128xf32, #tpu.memory_space<vmem>>
      tpu.wait_dma2 semaphore(%run_scoped3A_321 : memref<!tpu.dma_semaphore, #tpu.memory_space<semaphore_mem>>) src(%dma_wait3A_345 : memref<64x128xf32, #tpu.memory_space<vmem>>) dst(%dma_wait3A_341 : memref<64x128xf32, #tpu.memory_space<hbm>>)
      tpu.yield
    }) : () -> ()
    return
  }
}

module attributes {stable_mosaic.version = 14 : i64} {
  func.func @_tidx_body(%arg0: i32, %arg1: memref<10000x32xi32, #tpu.memory_space<vmem>>, %arg2: memref<160x64xi32, #tpu.memory_space<vmem>>) attributes {dimension_semantics = [#tpu.dimension_semantics<arbitrary>], iteration_bounds = array<i64: 32>, scalar_prefetch = 0 : i64, scratch_operands = 0 : i64, tpu.core_type = #tpu.core_type<tc>, window_params = [{pipeline_mode = #tpu.pipeline_mode<synchronous>, transform_indices = @transform_0, window_bounds = array<i64: 10000, 32>}, {transform_indices = @transform_1, window_bounds = array<i64: 160, 64>}]} {
    %eq3A = arith.constant 31 : i32
    %eq3A_0 = arith.cmpi eq, %arg0, %eq3A : i32
    %mul3A = arith.constant 312 : i32
    %mul3A_1 = arith.muli %arg0, %mul3A : i32
    %select_n3A = arith.constant 9680 : i32
    %select_n3A_2 = arith.select %eq3A_0, %select_n3A, %mul3A_1 : i32
    %add3A = arith.constant 0 : i32
    %add3A_3 = arith.addi %select_n3A_2, %add3A : i32
    %get3A = arith.index_cast %add3A_3 : i32 to index
    %get3A_4 = arith.constant 0 : index
    %get3A_5 = vector.load %arg1[%get3A, %get3A_4] : memref<10000x32xi32, #tpu.memory_space<vmem>>, vector<64x32xi32>
    %transpose3A = tpu.transpose %get3A_5, [1, 0] : vector<64x32xi32> -> vector<32x64xi32>
    %swap3A = arith.constant 0 : index
    %swap3A_6 = arith.constant 0 : index
    %swap3A_7 = vector.load %arg2[%swap3A, %swap3A_6] : memref<160x64xi32, #tpu.memory_space<vmem>>, vector<32x64xi32>
    tpu.vector_store %arg2[%swap3A, %swap3A_6], %transpose3A {strides = array<i32>} : memref<160x64xi32, #tpu.memory_space<vmem>>, vector<32x64xi32>,
    %add3A_8 = arith.constant 64 : i32
    %add3A_9 = arith.addi %select_n3A_2, %add3A_8 : i32
    %get3A_10 = arith.index_cast %add3A_9 : i32 to index
    %get3A_11 = arith.constant 0 : index
    %get3A_12 = vector.load %arg1[%get3A_10, %get3A_11] : memref<10000x32xi32, #tpu.memory_space<vmem>>, vector<64x32xi32>
    %transpose3A_13 = tpu.transpose %get3A_12, [1, 0] : vector<64x32xi32> -> vector<32x64xi32>
    %swap3A_14 = arith.constant 32 : index
    %swap3A_15 = arith.constant 0 : index
    %swap3A_16 = vector.load %arg2[%swap3A_14, %swap3A_15] : memref<160x64xi32, #tpu.memory_space<vmem>>, vector<32x64xi32>
    tpu.vector_store %arg2[%swap3A_14, %swap3A_15], %transpose3A_13 {strides = array<i32>} : memref<160x64xi32, #tpu.memory_space<vmem>>, vector<32x64xi32>,
    %add3A_17 = arith.constant 128 : i32
    %add3A_18 = arith.addi %select_n3A_2, %add3A_17 : i32
    %get3A_19 = arith.index_cast %add3A_18 : i32 to index
    %get3A_20 = arith.constant 0 : index
    %get3A_21 = vector.load %arg1[%get3A_19, %get3A_20] : memref<10000x32xi32, #tpu.memory_space<vmem>>, vector<64x32xi32>
    %transpose3A_22 = tpu.transpose %get3A_21, [1, 0] : vector<64x32xi32> -> vector<32x64xi32>
    %swap3A_23 = arith.constant 64 : index
    %swap3A_24 = arith.constant 0 : index
    %swap3A_25 = vector.load %arg2[%swap3A_23, %swap3A_24] : memref<160x64xi32, #tpu.memory_space<vmem>>, vector<32x64xi32>
    tpu.vector_store %arg2[%swap3A_23, %swap3A_24], %transpose3A_22 {strides = array<i32>} : memref<160x64xi32, #tpu.memory_space<vmem>>, vector<32x64xi32>,
    %add3A_26 = arith.constant 192 : i32
    %add3A_27 = arith.addi %select_n3A_2, %add3A_26 : i32
    %get3A_28 = arith.index_cast %add3A_27 : i32 to index
    %get3A_29 = arith.constant 0 : index
    %get3A_30 = vector.load %arg1[%get3A_28, %get3A_29] : memref<10000x32xi32, #tpu.memory_space<vmem>>, vector<64x32xi32>
    %transpose3A_31 = tpu.transpose %get3A_30, [1, 0] : vector<64x32xi32> -> vector<32x64xi32>
    %swap3A_32 = arith.constant 96 : index
    %swap3A_33 = arith.constant 0 : index
    %swap3A_34 = vector.load %arg2[%swap3A_32, %swap3A_33] : memref<160x64xi32, #tpu.memory_space<vmem>>, vector<32x64xi32>
    tpu.vector_store %arg2[%swap3A_32, %swap3A_33], %transpose3A_31 {strides = array<i32>} : memref<160x64xi32, #tpu.memory_space<vmem>>, vector<32x64xi32>,
    %add3A_35 = arith.constant 256 : i32
    %add3A_36 = arith.addi %select_n3A_2, %add3A_35 : i32
    %get3A_37 = arith.index_cast %add3A_36 : i32 to index
    %get3A_38 = arith.constant 0 : index
    %get3A_39 = vector.load %arg1[%get3A_37, %get3A_38] : memref<10000x32xi32, #tpu.memory_space<vmem>>, vector<64x32xi32>
    %transpose3A_40 = tpu.transpose %get3A_39, [1, 0] : vector<64x32xi32> -> vector<32x64xi32>
    %swap3A_41 = arith.constant 128 : index
    %swap3A_42 = arith.constant 0 : index
    %swap3A_43 = vector.load %arg2[%swap3A_41, %swap3A_42] : memref<160x64xi32, #tpu.memory_space<vmem>>, vector<32x64xi32>
    tpu.vector_store %arg2[%swap3A_41, %swap3A_42], %transpose3A_40 {strides = array<i32>} : memref<160x64xi32, #tpu.memory_space<vmem>>, vector<32x64xi32>,
    return
  }
  func.func @transform_0(%arg0: i32) -> (i32, i32) {
    %c0_i32 = arith.constant 0 : i32
    %c0_i32_0 = arith.constant 0 : i32
    %c0_i32_1 = arith.constant 0 : i32
    return %c0_i32, %c0_i32_0 : i32, i32
  }
  func.func @transform_1(%arg0: i32) -> (i32, i32) {
    %c0_i32 = arith.constant 0 : i32
    %c0_i32_0 = arith.constant 0 : i32
    return %arg0, %c0_i32 : i32, i32
  }
}

module attributes {stable_mosaic.version = 14 : i64} {
  func.func @_tc_body(%arg0: i32, %arg1: memref<1024x128xf32, #tpu.memory_space<vmem>>, %arg2: memref<1024x128xf32, #tpu.memory_space<vmem>>, %arg3: memref<128x64xf32, #tpu.memory_space<vmem>>, %arg4: memref<128x64xf32, #tpu.memory_space<vmem>>, %arg5: memref<64x64xf32, #tpu.memory_space<vmem>>, %arg6: memref<64x1024xf32, #tpu.memory_space<vmem>>) attributes {dimension_semantics = [#tpu.dimension_semantics<arbitrary>], iteration_bounds = array<i64: 10>, scalar_prefetch = 0 : i64, scratch_operands = 0 : i64, tpu.core_type = #tpu.core_type<tc>, window_params = [{transform_indices = @transform_0, window_bounds = array<i64: 1024, 128>}, {transform_indices = @transform_1, window_bounds = array<i64: 1024, 128>}, {pipeline_mode = #tpu.pipeline_mode<synchronous>, transform_indices = @transform_2, window_bounds = array<i64: 128, 64>}, {pipeline_mode = #tpu.pipeline_mode<synchronous>, transform_indices = @transform_3, window_bounds = array<i64: 128, 64>}, {pipeline_mode = #tpu.pipeline_mode<synchronous>, transform_indices = @transform_4, window_bounds = array<i64: 64, 64>}, {transform_indices = @transform_5, window_bounds = array<i64: 64, 1024>}]} {
    %get3A = arith.constant 0 : index
    %get3A_0 = arith.constant 0 : index
    %get3A_1 = vector.load %arg1[%get3A, %get3A_0] : memref<1024x128xf32, #tpu.memory_space<vmem>>, vector<1024x128xf32>
    %mul3A = arith.constant 3.125000e-02 : f32
    %mul3A_2 = vector.broadcast %mul3A : f32 to vector<1024x128xf32>
    %mul3A_3 = arith.mulf %get3A_1, %mul3A_2 : vector<1024x128xf32>
    %get3A_4 = arith.constant 0 : index
    %get3A_5 = arith.constant 0 : index
    %get3A_6 = vector.load %arg3[%get3A_4, %get3A_5] : memref<128x64xf32, #tpu.memory_space<vmem>>, vector<128x64xf32>
    %dot_general3A = arith.constant dense<0.000000e+00> : vector<1024x64xf32>
    %dot_general3A_7 = tpu.matmul %mul3A_3, %get3A_6, %dot_general3A {dimension_numbers = #tpu.dot_dimension_numbers<[1], [0], [0], [1], [0, 0, 1, 1], [], []>, transpose_lhs_hint = false} : vector<1024x128xf32>, vector<128x64xf32>, vector<1024x64xf32> -> vector<1024x64xf32>
    %max3A = arith.constant 0.000000e+00 : f32
    %max3A_8 = vector.broadcast %max3A : f32 to vector<1024x64xf32>
    %max3A_9 = arith.maximumf %dot_general3A_7, %max3A_8 : vector<1024x64xf32>
    %get3A_10 = arith.constant 0 : index
    %get3A_11 = arith.constant 0 : index
    %get3A_12 = vector.load %arg2[%get3A_10, %get3A_11] : memref<1024x128xf32, #tpu.memory_space<vmem>>, vector<1024x128xf32>
    %get3A_13 = arith.constant 0 : index
    %get3A_14 = arith.constant 0 : index
    %get3A_15 = vector.load %arg4[%get3A_13, %get3A_14] : memref<128x64xf32, #tpu.memory_space<vmem>>, vector<128x64xf32>
    %dot_general3A_16 = arith.constant dense<0.000000e+00> : vector<1024x64xf32>
    %dot_general3A_17 = tpu.matmul %get3A_12, %get3A_15, %dot_general3A_16 {dimension_numbers = #tpu.dot_dimension_numbers<[1], [0], [0], [1], [0, 0, 1, 1], [], []>, transpose_lhs_hint = false} : vector<1024x128xf32>, vector<128x64xf32>, vector<1024x64xf32> -> vector<1024x64xf32>
    %get3A_18 = arith.constant 0 : index
    %get3A_19 = arith.constant 0 : index
    %get3A_20 = vector.load %arg5[%get3A_18, %get3A_19] : memref<64x64xf32, #tpu.memory_space<vmem>>, vector<64x64xf32>
    %dot_general3A_21 = arith.constant dense<0.000000e+00> : vector<1024x64xf32>
    %dot_general3A_22 = tpu.matmul %max3A_9, %get3A_20, %dot_general3A_21 {dimension_numbers = #tpu.dot_dimension_numbers<[1], [0], [0], [1], [0, 0, 1, 1], [], []>, transpose_lhs_hint = false} : vector<1024x64xf32>, vector<64x64xf32>, vector<1024x64xf32> -> vector<1024x64xf32>
    %add3A = arith.addf %dot_general3A_17, %dot_general3A_22 : vector<1024x64xf32>
    %max3A_23 = arith.constant 0.000000e+00 : f32
    %max3A_24 = vector.broadcast %max3A_23 : f32 to vector<1024x64xf32>
    %max3A_25 = arith.maximumf %add3A, %max3A_24 : vector<1024x64xf32>
    %transpose3A = tpu.transpose %max3A_25, [1, 0] : vector<1024x64xf32> -> vector<64x1024xf32>
    %swap3A = arith.constant 0 : index
    %swap3A_26 = arith.constant 0 : index
    %swap3A_27 = vector.load %arg6[%swap3A, %swap3A_26] : memref<64x1024xf32, #tpu.memory_space<vmem>>, vector<64x1024xf32>
    tpu.vector_store %arg6[%swap3A, %swap3A_26], %transpose3A {strides = array<i32>} : memref<64x1024xf32, #tpu.memory_space<vmem>>, vector<64x1024xf32>,
    return
  }
  func.func @transform_0(%arg0: i32) -> (i32, i32) {
    %c0_i32 = arith.constant 0 : i32
    %c0_i32_0 = arith.constant 0 : i32
    return %arg0, %c0_i32 : i32, i32
  }
  func.func @transform_1(%arg0: i32) -> (i32, i32) {
    %c0_i32 = arith.constant 0 : i32
    %c0_i32_0 = arith.constant 0 : i32
    return %arg0, %c0_i32 : i32, i32
  }
  func.func @transform_2(%arg0: i32) -> (i32, i32) {
    %c0_i32 = arith.constant 0 : i32
    %c0_i32_0 = arith.constant 0 : i32
    %c0_i32_1 = arith.constant 0 : i32
    return %c0_i32, %c0_i32_0 : i32, i32
  }
  func.func @transform_3(%arg0: i32) -> (i32, i32) {
    %c0_i32 = arith.constant 0 : i32
    %c0_i32_0 = arith.constant 0 : i32
    %c0_i32_1 = arith.constant 0 : i32
    return %c0_i32, %c0_i32_0 : i32, i32
  }
  func.func @transform_4(%arg0: i32) -> (i32, i32) {
    %c0_i32 = arith.constant 0 : i32
    %c0_i32_0 = arith.constant 0 : i32
    %c0_i32_1 = arith.constant 0 : i32
    return %c0_i32, %c0_i32_0 : i32, i32
  }
  func.func @transform_5(%arg0: i32) -> (i32, i32) {
    %c0_i32 = arith.constant 0 : i32
    %c0_i32_0 = arith.constant 0 : i32
    return %c0_i32, %arg0 : i32, i32
  }
}

</mosaic_0001>

<sc_bundles>
// kernel: kernel.5.cloned.1.call-start
scs
__scs_entry_jumppad:
0x0: {  	(pc) =	sbr.rel $0x88, $3  }
0x1: {  	(tag) =	ssettag $0x0;
	lr =	simm.s32 $0x1  }
0x2: {  	[smem:$0x3F9C] =	sst lr;
	_ =	strace $0xD0000000  }
0x3: {  	_ = 	snop  }
0x4: {  	_ = 	snop  }
0x5: {  	_ = 	snop  }
0x6: {  	_ = 	snop  }
0x7: {  	_ = 	snop  }
__scs_overlays_trampoline_lowered:
0x8: {  	[smem:$0x3FAB] =	sst s0  }
0x9: {  	[smem:$0x3FAC] =	sst s1  }
0xa: {  	[smem:$0x3FAD] =	sst s2  }
0xb: {  	[smem:$0x3FAE] =	sst s3  }
0xc: {  	[smem:$0x3FAF] =	sst s4  }
0xd: {  	[smem:$0x3FB0] =	sst s5  }
0xe: {  	[smem:$0x3FB1] =	sst s6  }
0xf: {  	[smem:$0x3FB2] =	sst s7  }
0x10: {  	[smem:$0x3FB3] =	sst s8  }
0x11: {  	[smem:$0x3FB4] =	sst s9;
	s0 =	simm.s32 @!p0 $0x0  }
0x12: {  	s1 =	sld [smem:$0x3F9A];
	s0 =	simm.s32 @p0 $0x1  }
0x13: {  	[smem:$0x3FB5] =	sst s0;
	s0 =	simm.s32 @!p1 $0x0  }
0x14: {  	s2 =	sld [smem:$0x3F99];
	s0 =	simm.s32 @p1 $0x1  }
0x15: {  	[smem:$0x3FB6] =	sst s0;
	s0 =	simm.s32 @!p2 $0x0  }
0x16: {  	s3 =	sld [smem:$0x3FDB];
	s0 =	simm.s32 @p2 $0x1  }
0x17: {  	s4 =	simm.s32 $0x1BF5;
	[smem:$0x3FB8] =	sst s0  }
0x18: {  	s0 =	sld [smem:$0x3F9B];
	_ =	swait.ge [sflag:s4], $0x0  }
0x19: {  	s7 =	sld [smem:$0x3F9C]  }
0x1a: {  	s8 =	sadd.s32 $0xFFFFE003, lr  }
0x1b: {  	s9 =	sadd.s32 $0xFFFFFEF7, lr;
	s5 =	simm.s32 $0xFFFFFFFF;
	p2 =	slt.u32 s8, $0xFFFFF086  }
0x1c: {  	p1 =	slt.u32 s9, $0xF7A;
	s5 =	simm.s32 @!p2 $0x0  }
0x1d: {  	s5 =	simm.s32 @p1 $0x1;
	p0 =	seq.s32 s7, s2  }
0x1e: {  	s7 =	smul.u32 @!p0 $0xF7A, s2;
	p2 =	seq.s32 @!p0 s5, $0x0  }
0x1f: {  	s9 =	smul.u32 $0xF7A, s1;
	s8 =	simm.s32 @!p0 $0x1BF5;
	p2 =	por !p2, p0  }
0x20: {  	[sflag:s8] =	ssyncset.s32 @!p0 $0xFFFFF086;
	s6 =	sadd.s32 @!p0 s3, s7;
	s7 =	simm.s32 @!p0 $0x108  }
0x21: {  	s3 =	sadd.s32 s3, s9;
	s6 =	sadd.s32 @!p0 $0x88, s6;
	s7 =	simm.s32 @p2 $0x1082  }
0x22: {  	[simem:s7], [sflag:s8] =	dma.local @!p0 [hbm:s6], $0xF7A  }
0x23: {  	s9 =	sor.u32 $0xD0000000, s2;
	s6 =	simm.s32 $0x108;
	_ =	swait.ge @!p0 [sflag:s8], $0x0  }
0x24: {  	s3 =	sadd.s32 $0x88, s3;
	s6 =	simm.s32 @!p1 $0x1082;
	[sflag:s4] =	ssyncset.s32 $0xFFFFF086  }
0x25: {  	[simem:s6], [sflag:s4] =	dma.local [hbm:s3], $0xF7A  }
0x26: {  	[smem:$0x3F9C] =	sst s1;
	(tag) =	ssettag s2;
	_ =	strace s9  }
0x27: {  	s1 =	sld [smem:$0x3FAC]  }
0x28: {  	s2 =	sld [smem:$0x3FAD]  }
0x29: {  	s4 =	sld [smem:$0x3FAF]  }
0x2a: {  	p0 =	seq.s32 s5, $0x0;
	s5 =	sld [smem:$0x3FB0]  }
0x2b: {  	s6 =	sld [smem:$0x3FB1]  }
0x2c: {  	s7 =	sld [smem:$0x3FB2]  }
0x2d: {  	s3 =	simm.s32 $0x108;
	s8 =	sld [smem:$0x3FB3]  }
0x2e: {  	s3 =	simm.s32 @!p0 $0x1082;
	s9 =	sld [smem:$0x3FB4]  }
0x2f: {  	lr =	sadd.s32 s0, s3;
	s0 =	sld [smem:$0x3FAB]  }
0x30: {  	s3 =	sld [smem:$0x3FAE]  }
0x31: {  	[smem:$0x3FB7] =	sst s10  }
0x32: {  	s10 =	sld [smem:$0x3FB5];
	_ =	sdelay $0x3  }
0x33: {  	p0 =	seq.s32 s10, $0x1;
	s10 =	sld [smem:$0x3FB7];
	_ =	sdelay $0x3  }
0x34: {  	[smem:$0x3FB7] =	sst s10  }
0x35: {  	s10 =	sld [smem:$0x3FB6];
	_ =	sdelay $0x3  }
0x36: {  	p1 =	seq.s32 s10, $0x1;
	s10 =	sld [smem:$0x3FB7];
	_ =	sdelay $0x3  }
0x37: {  	[smem:$0x3FB7] =	sst s10  }
0x38: {  	s10 =	sld [smem:$0x3FB8]  }
0x39: {  	_ = 	snop;
	(pc) =	sbr.ind lr, $3  }
0x3a: {  	_ = 	snop  }
0x3b: {  	_ = 	snop  }
0x3c: {  	p2 =	seq.s32 s10, $0x1;
	s10 =	sld [smem:$0x3FB7]  }
0x3d: {  	_ =	shalt  }
0x3e: {  	_ =	shalt  }
0x3f: {  	_ =	shalt  }
0x40: {  	_ =	shalt  }
0x41: {  	_ =	shalt  }
0x42: {  	_ =	shalt  }
0x43: {  	_ =	shalt  }
0x44: {  	_ =	shalt  }
0x45: {  	_ =	shalt  }
0x46: {  	_ =	shalt  }
0x47: {  	_ =	shalt  }
0x48: {  	_ =	shalt  }
0x49: {  	_ =	shalt  }
0x4a: {  	_ =	shalt  }
0x4b: {  	_ =	shalt  }
0x4c: {  	_ =	shalt  }
0x4d: {  	_ =	shalt  }
0x4e: {  	_ =	shalt  }
0x4f: {  	_ =	shalt  }
0x50: {  	_ =	shalt  }
0x51: {  	_ =	shalt  }
0x52: {  	_ =	shalt  }
0x53: {  	_ =	shalt  }
0x54: {  	_ =	shalt  }
0x55: {  	_ =	shalt  }
0x56: {  	_ =	shalt  }
0x57: {  	_ =	shalt  }
0x58: {  	_ =	shalt  }
0x59: {  	_ =	shalt  }
0x5a: {  	_ =	shalt  }
0x5b: {  	_ =	shalt  }
0x5c: {  	_ =	shalt  }
0x5d: {  	_ =	shalt  }
0x5e: {  	_ =	shalt  }
0x5f: {  	_ =	shalt  }
0x60: {  	_ =	shalt  }
0x61: {  	_ =	shalt  }
0x62: {  	_ =	shalt  }
0x63: {  	_ =	shalt  }
0x64: {  	_ =	shalt  }
0x65: {  	_ =	shalt  }
0x66: {  	_ =	shalt  }
0x67: {  	_ =	shalt  }
0x68: {  	_ =	shalt  }
0x69: {  	_ =	shalt  }
0x6a: {  	_ =	shalt  }
0x6b: {  	_ =	shalt  }
0x6c: {  	_ =	shalt  }
0x6d: {  	_ =	shalt  }
0x6e: {  	_ =	shalt  }
0x6f: {  	_ =	shalt  }
0x70: {  	_ =	shalt  }
0x71: {  	_ =	shalt  }
0x72: {  	_ =	shalt  }
0x73: {  	_ =	shalt  }
0x74: {  	_ =	shalt  }
0x75: {  	_ =	shalt  }
0x76: {  	_ =	shalt  }
0x77: {  	_ =	shalt  }
0x78: {  	_ =	shalt  }
0x79: {  	_ =	shalt  }
0x7a: {  	_ =	shalt  }
0x7b: {  	_ =	shalt  }
0x7c: {  	_ =	shalt  }
0x7d: {  	_ =	shalt  }
0x7e: {  	_ =	shalt  }
0x7f: {  	_ =	shalt  }
0x80: {  	_ =	shalt  }
0x81: {  	_ =	shalt  }
0x82: {  	_ =	shalt  }
0x83: {  	_ =	shalt  }
0x84: {  	_ =	shalt  }
0x85: {  	_ =	shalt  }
0x86: {  	_ =	shalt  }
0x87: {  	_ =	shalt  }
.Lfunc_end0:
.L_simem_size_0:
called_computation_lowered:
.L_overlay_start_0:
0x88: {  	s2 =	sld [smem:$0x3FD9]  }
0x89: {  	s3 =	sld [smem:$0x3FFE];
	_ =	sdelay $0x1  }
0x8a: {  	s1 =	srdreg.scid  }
0x8b: {  	s0 =	sand.u32 $0x1, s1  }
0x8c: {  	s17 =	sshll.u32 s0, $0xA;
	s2 =	sadd.s32 s3, s2  }
0x8d: {  	s2 =	sadd.s32 s2, s17  }
0x8e: {  	[smem:$0x3FC3] =	sst s2  }
0x8f: {  	_ = 	snop  }
0x90: {  	s2 =	sld [smem:$0x3FC9]  }
0x91: {  	s18 =	sld [smem:$0x3FC7]  }
0x92: {  	s4 =	sld [smem:$0x3FD0];
	(tm) =	ssettm $0x1  }
0x93: {  	s5 =	sld [smem:$0x3FFB];
	_ =	sdelay $0x3  }
0x94: {  	_ =	strace s5  }
0x95: {  	s5 =	sld [smem:$0x3FFC];
	_ =	sdelay $0x3  }
0x96: {  	_ =	strace s5  }
0x97: {  	s5 =	sld [smem:$0x3FFD];
	_ =	sdelay $0x3  }
0x98: {  	_ =	strace s5  }
0x99: {  	_ =	strace $0x8FFFFFFF  }
0x9a: {  	s19 =	sld [smem:$0x3FDB];
	_ =	sdelay $0x1  }
0x9b: {  	s6 =	simm.s32 $_scs_section_size  }
0x9c: {  	s7 =	simm.s32 $_size__tile_overlayer_lowered;
	s8 =	simm.s32 $_tile_overlayer_lowered  }
0x9d: {  	s22 =	simm.s32 $0x1BFF;
	s21 =	sshll.u32 s8, $0x1;
	s5 =	sadd.s32 s6, s19  }
0x9e: {  	s9 =	simm.s32 $0x0;
	s20 =	sshll.u32 s7, $0x1;
	s7 =	sadd.s32 s21, s5  }
0x9f: {  	[timem:s9], [sflag:s22] =	dma.local [hbm:s7], s20  }
0xa0: {  	_ =	swait.ge [sflag:s22], s20  }
0xa1: {  	s6 =	ssub.s32 $0x0, s20;
	[sflag:s22] =	ssyncset.done $0x0  }
0xa2: {  	[sflag:s22] =	ssyncadd.s32 s6;
	_ =	sdelay $0x1  }
0xa3: {  	s23 =	simm.s32 $0x1B8B  }
0xa4: {  	_ =	swait.ge [sflag:s23], $0x1  }
0xa5: {  	[sflag:s23] =	ssyncset.done $0x0  }
0xa6: {  	s25 =	simm.s32 $0x1B8E;
	s24 =	sld [smem:$0x3FFE];
	[sflag:s23] =	ssyncadd.s32 $0xFFFFFFFF  }
0xa7: {  	s26 =	simm.s32 $execute0_lowered;
	[smem:$0x3FD2] =	sst s25  }
0xa8: {  	s7 =	sshll.u32 s26, $0x1;
	_ =	strace $0x80000046;
	[dreg:$0x1] =	wrdreg $0xFFFFFFFF  }
0xa9: {  	s28 =	simm.s32 $_size_execute0_lowered;
	s5 =	sadd.s32 s5, s7;
	[dreg:$0x0] =	wrdreg $0x0  }
0xaa: {  	s7 =	sshll.u32 s28, $0x1;
	[dreg:$0x2] =	wrdreg s5  }
0xab: {  	[dreg:$0x3] =	wrdreg s7  }
0xac: {  	[dreg:$0x4] =	wrdreg $0xC0  }
0xad: {  	_ =	task [dreg:s9], $0x5FFFF  }
0xae: {  	[dreg:$0x1] =	wrdreg $0xFFFFFFFF  }
0xaf: {  	[dreg:$0x0] =	wrdreg $0x60  }
0xb0: {  	[dreg:$0x2] =	wrdreg s24  }
0xb1: {  	[dreg:$0x3] =	wrdreg s2  }
0xb2: {  	[dreg:$0x4] =	wrdreg s4  }
0xb3: {  	[dreg:$0x5] =	wrdreg s18  }
0xb4: {  	[dreg:$0x6] =	wrdreg $0x9  }
0xb5: {  	_ =	task.clear_ibuf [dreg:s9], $0x7FFFF;
	_ =	strace $0x90000046  }
0xb6: {  	s29 =	simm.s32 $0x9;
	_ =	strace $0x80000048  }
0xb7: {  	_ =	swait.ge [sflag:s29], $0x1  }
0xb8: {  	[sflag:s29] =	ssyncadd.s32 $0xFFFFFFFF  }
0xb9: {  	_ =	strace $0x90000048  }
0xba: {  	_ =	sfence  }
0xbb: {  	s30 =	sld [smem:$0x0];
	_ =	sdelay $0x2  }
0xbc: {  	s31 =	sshll.u32 s1, $0xD;
	s1 =	sshrl.u32 s1, $0x2  }
0xbd: {  	s3 =	sand.u32 $0x4000, s31;
	s1 =	sadd.s32 s1, s30  }
0xbe: {  	s0 =	sor.u32 s3, s0;
	s1 =	sshll.u32 s1, $0x11  }
0xbf: {  	s0 =	sor.u32 s1, s0  }
0xc0: {  	s0 =	sadd.s32 $0x8F2B, s0  }
0xc1: {  	[sflag:s0] =	ssyncadd.remote.s32 $0x1  }
0xc2: {  	_ =	sfence.sel $0xFFFF  }
0xc3: {  	[dreg:$0x0] =	wrdreg $0xFFFFFFFF;
	(pc) =	sbr.abs _section_cstart, $3  }
0xc4: {  	[dreg:$0x1] =	wrdreg $0xFFFFFFFF  }
0xc5: {  	_ =	task.clear_ibuf [dreg:s9], $0x2FFFF;
	_ =	strace $0x9FFFFFFF  }
0xc6: {  	(tm) =	ssettm $0x7FFFFFFF  }
0xc7: {  	_ =	shalt  }
tec
execute0_lowered:
.L_overlay_start_1:
0x0: {  	(tag) =	ssettag $0x1  }
0x1: {  	s0 =	rddreg [dreg:$0x0]  }
0x2: {  	s1 =	rddreg [dreg:$0x1];
	s2 =	srdreg.scid  }
0x3: {  	s3 =	stileid.u32;
	s14 =	simm.s32 $0x5000;
	s15 =	simm.s32 $0x5180  }
0x4: {  	s16 =	simm.s32 $0x7;
	s17 =	simm.s32 $0x4;
	s18 =	simm.s32 $0x40  }
0x5: {  	s23 =	simm.s32 $0x2;
	s24 =	simm.s32 $0x3;
	s25 =	simm.s32 $0x9  }
0x6: {  	s28 =	simm.s32 $0xF180;
	s29 =	simm.s32 $0x5;
	s31 =	simm.s32 $0x11180  }
0x7: {  	s20 =	simm.s32 $0x0;
	s2 =	sand.u32 $0x1, s2;
	s4 =	sshll.u32 s3, $0x1  }
0x8: {  	s3 =	rddreg [dreg:$0x3];
	s5 =	sor.u32 s2, s4;
	s4 =	simm.s32 $0x0  }
0x9: {  	s2 =	ssub.s32 $0x2, s2;
	s6 =	smul.u32 $0x138, s5;
	[smem:$0x7FF] =	sst s4  }
0xa: {  	p0 =	seq.s32 s5, $0x1F;
	s5 =	smul.u32 $0xA00, s5;
	s26 =	sshrl.u32 s2, $0x1  }
0xb: {  	_ =	strace $0x80000047;
	s2 =	ssub.s32 s2, s26;
	s26 =	simm.s32 $0x8  }
0xc: {  	s6 =	simm.s32 @p0 $0x25D0;
	s5 =	sadd.s32 s5, s0;
	s13 =	smax.u32 s2, $0x1  }
0xd: {  	s7 =	sshll.u32 s6, $0x4;
	s5 =	sadd.s32 $0x1800, s5;
	s6 =	sshrl.u32 s6, $0x3  }
0xe: {  	s0 =	sadd.s32 s7, s0;
	[dreg:$0x5] =	wrdreg s5;
	s1 =	sadd.s32 s1, s6  }
0xf: {  	[dreg:$0x6] =	wrdreg s1;
	s30 =	sadd.s32 $0x15800, s0;
	s8 =	sadd.s32 $0x3D800, s0  }
0x10: {  	s9 =	sadd.s32 $0x3DC00, s0;
	s10 =	sadd.s32 $0x3E000, s0;
	s11 =	sadd.s32 $0x3E400, s0  }
0x11: {  	s12 =	sadd.s32 $0x3E800, s0;
	s1 =	simm.s32 $0x6;
	[dreg:$0x7] =	wrdreg s30  }
.LBB2_1:
0x12: {  	s0 =	rddreg [dreg:$0x5]  }
0x13: {  	[tilespmem:s4], [sflag:$0x7] =	stream.linear.gather [hbm4b:s0+s4], $0x5000, $0x38;
	[tilespmem:$0x13180] =	vst v63  }
0x14: {  	s21 =	rddreg [dreg:$0x6]  }
0x15: {  	[tilespmem:s14], [sflag:$0x8] =	stream.linear.gather [hbm4b:s21+s4], $0x140, $0x38;
	[tilespmem:$0x13180] =	vst v63  }
0x16: {  	s22 =	rddreg [dreg:$0x2];
	s2 =	sand.u32 $0xFF, s24  }
0x17: {  	[tilespmem:s15], [sflag:$0x4] =	stream.linear.gather [hbm4b:s22+s4], $0xA000, $0x38;
	[tilespmem:$0x13180] =	vst v63  }
0x18: {  	s0 =	smul.u32 $0xCD, s2;
	_ =	swait.ge [sflag:s16], $0x5000  }
0x19: {  	[sflag:s16] =	ssyncset.done $0x0  }
0x1a: {  	s5 =	simm.s32 $0x7180;
	s0 =	sshrl.u32 s0, $0xA;
	[sflag:s16] =	ssyncadd.s32 $0xFFFFB000  }
0x1b: {  	s6 =	simm.s32 $0x9180;
	s22 =	smul.u32 $0x5, s0;
	_ =	swait.ge [sflag:s17], $0xA000  }
0x1c: {  	s30 =	simm.s32 $0x0;
	s7 =	sand.u32 $0x3, s24;
	[sflag:s17] =	ssyncset.done $0x0  }
0x1d: {  	s2 =	simm.s32 $0x1000;
	s22 =	ssub.s32 $0x3, s22;
	[sflag:s17] =	ssyncadd.s32 $0xFFFF6000  }
0x1e: {  	[tilespmem:s15], [sflag:$0x1] =	stream.indirect.gather.add.f32 [hbm:s3], $0x80, s4, s18, $0xb8;
	[tilespmem:$0x13180] =	vst v63  }
0x1f: {  	s21 =	simm.s32 $0x4;
	s0 =	sshll.u32 s0, $0x7;
	s22 =	sand.u32 $0xFF, s22  }
0x20: {  	[tilespmem:s5], [sflag:$0x2] =	stream.indirect.gather.add.f32 [hbm:s3], $0x80, s2, s18, $0xb8;
	[tilespmem:$0x13180] =	vst v63  }
0x21: {  	s19 =	sshll.u32 s22, $0xD;
	s22 =	sshll.u32 s22, $0xC;
	s5 =	simm.s32 $0x2000  }
0x22: {  	[tilespmem:s6], [sflag:$0x3] =	stream.indirect.gather.add.f32 [hbm:s3], $0x80, s5, s18, $0xb8;
	[tilespmem:$0x13180] =	vst v63  }
0x23: {  	s19 =	sadd.s32 $0x5180, s19;
	s0 =	sadd.s32 s0, s22;
	s2 =	sadd.s32 $0x1, s7  }
0x24: {  	[tilespmem:s19], [sflag:s2] =	stream.indirect.gather.add.f32 [hbm:s3], $0x80, s0, s18, $0xb8;
	[tilespmem:$0x13180] =	vst v63  }
0x25: {  	s30 =	sand.u32 $0x3, s30;
	s19 =	sand.u32 $0xFF, s21  }
0x26: {  	s22 =	sadd.s32 $0x1, s30;
	s30 =	smul.u32 $0xCD, s19  }
0x27: {  	s0 =	simm.s32 $0x5;
	_ =	swait.ge [sflag:s22], $0x2000  }
.LBB2_2:
0x28: {  	s2 =	sshrl.u32 s30, $0xA  }
0x29: {  	[sflag:s22] =	ssyncset.done $0x0;
	s19 =	smov.u32 s0;
	s5 =	sadd.s32 $0x1, s0  }
0x2a: {  	p0 =	sne.s32 s0, $0x9F;
	s0 =	smul.u32 $0x5, s2;
	[sflag:s22] =	ssyncadd.s32 $0xFFFFE000  }
0x2b: {  	_ = 	snop  }
0x2c: {  	s2 =	sshll.u32 s2, $0x7;
	s22 =	sadd.s32 $0xFFFFFFFD, s21;
	s0 =	ssub.s32 s21, s0  }
0x2d: {  	s22 =	sand.u32 $0x3, s22;
	s21 =	sand.u32 $0x3, s21;
	s0 =	sand.u32 $0xFF, s0  }
.Ltmp0:
0x2e: {  	s30 =	sshll.u32 s0, $0xD;
	s0 =	sshll.u32 s0, $0xC;
	(pc) =	sbr.rel @p0 .LBB2_2-.Ltmp0, $4  }
0x2f: {  	s6 =	sand.u32 $0xFF, s19;
	s7 =	sadd.s32 $0x5180, s30;
	s0 =	sadd.s32 s2, s0  }
0x30: {  	s22 =	sadd.s32 $0x1, s22;
	s30 =	smul.u32 $0xCD, s6;
	s2 =	sadd.s32 $0x1, s21  }
0x31: {  	[tilespmem:s7], [sflag:s2] =	stream.indirect.gather.add.f32 [hbm:s3], $0x80, s0, s18, $0xb8;
	[tilespmem:$0x13180] =	vst v63  }
0x32: {  	s21 =	smov.u32 s19;
	s0 =	smov.u32 s5;
	_ =	swait.ge [sflag:s22], $0x2000  }
0x33: {  	s0 =	sshrl.u32 s30, $0xA  }
0x34: {  	s2 =	smul.u32 $0x5, s0;
	_ =	sdelay $0x1  }
0x35: {  	[sflag:s22] =	ssyncset.done $0x0;
	s5 =	sand.u32 $0x3, s21;
	s2 =	ssub.s32 s21, s2  }
0x36: {  	[sflag:s22] =	ssyncadd.s32 $0xFFFFE000;
	s0 =	sshll.u32 s0, $0x7;
	s2 =	sand.u32 $0xFF, s2  }
0x37: {  	s5 =	sadd.s32 $0x1, s5;
	s6 =	sshll.u32 s2, $0xD;
	s2 =	sshll.u32 s2, $0xC  }
0x38: {  	s0 =	sadd.s32 s0, s2;
	s30 =	sadd.s32 $0x5180, s6;
	s6 =	sadd.s32 $0xFFFFFFFD, s21  }
0x39: {  	[tilespmem:s30], [sflag:s5] =	stream.indirect.gather.add.f32 [hbm:s3], $0x80, s0, s18, $0xb8;
	[tilespmem:$0x13180] =	vst v63  }
0x3a: {  	s0 =	sand.u32 $0x3, s6  }
0x3b: {  	s0 =	sadd.s32 $0x1, s0  }
0x3c: {  	_ =	swait.ge [sflag:s0], $0x2000  }
0x3d: {  	[sflag:s0] =	ssyncset.done $0x0  }
0x3e: {  	[sflag:s0] =	ssyncadd.s32 $0xFFFFE000  }
0x3f: {  	_ =	swait.ge [sflag:s23], $0x2000  }
0x40: {  	[sflag:s23] =	ssyncset.done $0x0  }
0x41: {  	[sflag:s23] =	ssyncadd.s32 $0xFFFFE000  }
0x42: {  	_ =	swait.ge [sflag:s24], $0x2000  }
0x43: {  	[sflag:s24] =	ssyncset.done $0x0  }
0x44: {  	[sflag:s24] =	ssyncadd.s32 $0xFFFFE000  }
0x45: {  	_ =	swait.ge [sflag:s17], $0x2000  }
0x46: {  	[sflag:s17] =	ssyncset.done $0x0  }
0x47: {  	s7 =	rddreg [dreg:$0x7];
	[sflag:s17] =	ssyncadd.s32 $0xFFFFE000  }
0x48: {  	[hbm4b:s7+s4] =	stream.linear.scatter [tilespmem:s15], [sflag:$0x9], $0xA000, $0x38;
	[tilespmem:$0x13180] =	vst v63  }
0x49: {  	_ =	swait.ge [sflag:s25], $0xA000  }
0x4a: {  	[sflag:s25] =	ssyncset.done $0x0  }
0x4b: {  	[sflag:s25] =	ssyncadd.s32 $0xFFFF6000  }
0x4c: {  	_ =	swait.ge [sflag:s26], $0x140  }
0x4d: {  	[sflag:s26] =	ssyncset.done $0x0  }
0x4e: {  	[sflag:s26] =	ssyncadd.s32 $0xFFFFFEC0  }
0x4f: {  	[tilespmem:s28], [sflag:$0x5] =	stream.indirect.gather [hbm4b:s3+s18], $0x80, s14, s18, $0xb8;
	[tilespmem:$0x13180] =	vst v63  }
0x50: {  	_ =	swait.ge [sflag:s29], $0x2000  }
0x51: {  	[sflag:s29] =	ssyncset.done $0x0  }
0x52: {  	s19 =	simm.s32 $0x5040;
	[sflag:s29] =	ssyncadd.s32 $0xFFFFE000  }
0x53: {  	[tilespmem:s31], [sflag:$0x6] =	stream.indirect.gather [hbm4b:s3+s18], $0x80, s19, s18, $0xb8;
	[tilespmem:$0x13180] =	vst v63  }
0x54: {  	_ = 	snop  }
0x55: {  	[hbm4b:s8+s4] =	stream.linear.scatter [tilespmem:s28], [sflag:$0x9], $0x2000, $0x38;
	[tilespmem:$0x13180] =	vst v63  }
0x56: {  	_ =	swait.ge [sflag:s25], $0x2000  }
0x57: {  	[sflag:s25] =	ssyncset.done $0x0  }
0x58: {  	[sflag:s25] =	ssyncadd.s32 $0xFFFFE000  }
0x59: {  	_ =	swait.ge [sflag:s1], $0x2000  }
0x5a: {  	[sflag:s1] =	ssyncset.done $0x0  }
0x5b: {  	s21 =	simm.s32 $0x5080;
	[sflag:s1] =	ssyncadd.s32 $0xFFFFE000  }
0x5c: {  	[tilespmem:s28], [sflag:$0x5] =	stream.indirect.gather [hbm4b:s3+s18], $0x80, s21, s18, $0xb8;
	[tilespmem:$0x13180] =	vst v63  }
0x5d: {  	_ = 	snop  }
0x5e: {  	[hbm4b:s9+s4] =	stream.linear.scatter [tilespmem:s31], [sflag:$0x9], $0x2000, $0x38;
	[tilespmem:$0x13180] =	vst v63  }
0x5f: {  	_ =	swait.ge [sflag:s25], $0x2000  }
0x60: {  	[sflag:s25] =	ssyncset.done $0x0  }
0x61: {  	[sflag:s25] =	ssyncadd.s32 $0xFFFFE000  }
0x62: {  	_ =	swait.ge [sflag:s29], $0x2000  }
0x63: {  	[sflag:s29] =	ssyncset.done $0x0  }
0x64: {  	s22 =	simm.s32 $0x50C0;
	[sflag:s29] =	ssyncadd.s32 $0xFFFFE000  }
0x65: {  	[tilespmem:s31], [sflag:$0x6] =	stream.indirect.gather [hbm4b:s3+s18], $0x80, s22, s18, $0xb8;
	[tilespmem:$0x13180] =	vst v63  }
0x66: {  	_ = 	snop  }
0x67: {  	[hbm4b:s10+s4] =	stream.linear.scatter [tilespmem:s28], [sflag:$0x9], $0x2000, $0x38;
	[tilespmem:$0x13180] =	vst v63  }
0x68: {  	_ =	swait.ge [sflag:s25], $0x2000  }
0x69: {  	[sflag:s25] =	ssyncset.done $0x0  }
0x6a: {  	[sflag:s25] =	ssyncadd.s32 $0xFFFFE000  }
0x6b: {  	_ =	swait.ge [sflag:s1], $0x2000  }
0x6c: {  	[sflag:s1] =	ssyncset.done $0x0  }
0x6d: {  	s30 =	simm.s32 $0x5100;
	[sflag:s1] =	ssyncadd.s32 $0xFFFFE000  }
0x6e: {  	[tilespmem:s28], [sflag:$0x5] =	stream.indirect.gather [hbm4b:s3+s18], $0x80, s30, s18, $0xb8;
	[tilespmem:$0x13180] =	vst v63  }
0x6f: {  	_ = 	snop  }
0x70: {  	[hbm4b:s11+s4] =	stream.linear.scatter [tilespmem:s31], [sflag:$0x9], $0x2000, $0x38;
	[tilespmem:$0x13180] =	vst v63  }
0x71: {  	_ =	swait.ge [sflag:s25], $0x2000  }
0x72: {  	[sflag:s25] =	ssyncset.done $0x0  }
0x73: {  	[sflag:s25] =	ssyncadd.s32 $0xFFFFE000  }
0x74: {  	s20 =	sadd.s32 $0x1, s20;
	_ =	swait.ge [sflag:s29], $0x2000  }
0x75: {  	p0 =	sne.s32 s20, s13;
	[sflag:s29] =	ssyncset.done $0x0  }
.Ltmp1:
0x76: {  	[sflag:s29] =	ssyncadd.s32 $0xFFFFE000;
	(pc) =	sbr.rel @p0 .LBB2_1-.Ltmp1, $4  }
0x77: {  	[hbm4b:s12+s4] =	stream.linear.scatter [tilespmem:s28], [sflag:$0x9], $0x2000, $0x38;
	[tilespmem:$0x13180] =	vst v63  }
0x78: {  	_ =	swait.ge [sflag:s25], $0x2000  }
0x79: {  	[sflag:s25] =	ssyncset.done $0x0  }
0x7a: {  	[sflag:s25] =	ssyncadd.s32 $0xFFFFE000  }
0x7b: {  	_ =	sfence.sel $0x180000  }
0x7c: {  	[bflag:$0x0] =	sbarrier.arrive $0xFFFF  }
0x7d: {  	_ =	strace $0x90000047  }
0x7e: {  	s0 =	stileid.u32;
	[bflag:$0x2] =	sbarrier.arrive $0xFFFF  }
0x7f: {  	p0 =	sne.s32 s0, $0x0;
	s0 =	rddreg [dreg:$0x4]  }
0x80: {  	s0 =	sadd.s32 @!p0 $0x100000, s0  }
0x81: {  	[sflag:s0] =	ssyncadd.tile.s32 @!p0 $0x1;
	_ =	shalt  }
.Lfunc_end2:
_tile_overlayer_lowered:
.L_overlay_start_2:
0x82: {  	(tag) =	ssettag $0x2  }
0x83: {  	s0 =	rddreg [dreg:$0x0];
	s2 =	stileid.u32  }
0x84: {  	s1 =	rddreg [dreg:$0x1];
	p0 =	sne.s32 s2, $0x0  }
0x85: {  	s3 =	rddreg [dreg:$0x2];
	[bflag:$0x3] =	sbarrier.arrive $0xFFFF;
	s2 =	simm.s32 @!p0 $0x1C09  }
0x86: {  	[timem:s3], [sflag:s2] =	dma.local @!p0 [hbm:s0], s1  }
0x87: {  	s0 =	simm.s32 @!p0 $0x9  }
0x88: {  	_ =	swait.ge @!p0 [sflag:s0], s1  }
0x89: {  	s1 =	ssub.s32 @!p0 $0x0, s1;
	[sflag:s0] =	ssyncset.done @!p0 $0x0  }
0x8a: {  	[sflag:s0] =	ssyncadd.s32 @!p0 s1  }
0x8b: {  	[bflag:$0x3] =	sbarrier.arrive $0xFFFF  }
0x8c: {  	_ =	shalt  }

</sc_bundles>
